<compile_context>
chip_gen: v7x
topology: tpu7x:2x2x1
jax: 0.10.2.dev20260603
libtpu: 0.0.44.dev20260713+nightly
codegen_flags: <defaults>
</compile_context>

<pallas_src>
import functools

import jax
import jax.numpy as jnp
from jax import lax
from jax.experimental import pallas as pl
from jax.experimental.pallas import tpu as pltpu
from jax.experimental.pallas import tpu_sc as plsc

NUM_CORES = 2
NUM_SUBCORES = 16
NUM_WORKERS = NUM_CORES * NUM_SUBCORES
CHUNK = 128
LANES = 16


def _make_segsum(n_rows, d, e_pad, with_counts):
  epw = e_pad // NUM_WORKERS
  n_chunks = epw // CHUNK
  rows_per_sub = n_rows // NUM_SUBCORES

  mesh = plsc.VectorSubcoreMesh(core_axis_name="c", subcore_axis_name="s")

  out_type = [jax.ShapeDtypeStruct((NUM_CORES * n_rows, d), jnp.float32)]
  scratch = [
      pltpu.VMEM((CHUNK,), jnp.int32),
      pltpu.VMEM((CHUNK,), jnp.int32),
      pltpu.VMEM((CHUNK, d), jnp.float32),
      pltpu.SemaphoreType.DMA,
      pltpu.VMEM((CHUNK,), jnp.int32),
      pltpu.VMEM((CHUNK,), jnp.int32),
      pltpu.VMEM((CHUNK, d), jnp.float32),
      pltpu.SemaphoreType.DMA,
      pltpu.VMEM_SHARED((n_rows, d), jnp.float32),
  ]
  if with_counts:
    out_type.append(
        jax.ShapeDtypeStruct((NUM_WORKERS * n_rows,), jnp.float32))
    scratch.append(pltpu.VMEM((n_rows,), jnp.float32))

  @functools.partial(
      pl.kernel,
      out_type=tuple(out_type),
      mesh=mesh,
      scratch_types=scratch,
      compiler_params=pltpu.CompilerParams(needs_layout_passes=False),
  )
  def segsum(*refs):
    cnt_v = None
    if with_counts:
      (feat_hbm, src_hbm, dst_hbm, zf_hbm,
       sum_out, cnt_out,
       sidx_a, didx_a, rows_a, sem_a,
       sidx_b, didx_b, rows_b, sem_b, acc_sh, cnt_v) = refs
    else:
      (feat_hbm, src_hbm, dst_hbm, zf_hbm,
       sum_out,
       sidx_a, didx_a, rows_a, sem_a,
       sidx_b, didx_b, rows_b, sem_b, acc_sh) = refs

    cid = lax.axis_index("c")
    sid = lax.axis_index("s")
    wid = cid * NUM_SUBCORES + sid

    base_r = sid * rows_per_sub
    pltpu.sync_copy(zf_hbm.at[pl.ds(base_r, rows_per_sub)],
                    acc_sh.at[pl.ds(base_r, rows_per_sub)])
    if with_counts:
      zeros16 = jnp.zeros((LANES,), jnp.float32)

      def zbody(j, carry):
        cnt_v[pl.ds(j * LANES, LANES)] = zeros16
        return carry

      lax.fori_loop(0, n_rows // LANES, zbody, 0)
    plsc.subcore_barrier()

    ebase = wid * epw

    ones16 = jnp.ones((LANES,), jnp.float32)

    def load_and_fire(off, sidx, didx, rows, sem):
      pltpu.sync_copy(src_hbm.at[pl.ds(off, CHUNK)], sidx)
      pltpu.sync_copy(dst_hbm.at[pl.ds(off, CHUNK)], didx)
      pltpu.async_copy(feat_hbm.at[sidx], rows, sem)

    def drain_and_scatter(sidx, didx, rows, sem):
      pltpu.make_async_copy(feat_hbm.at[sidx], rows, sem).wait()
      pltpu.sync_copy(rows, acc_sh.at[didx], add=True)
      if with_counts:
        for k in range(CHUNK // LANES):
          idxv = didx[pl.ds(k * LANES, LANES)]
          plsc.addupdate_scatter(cnt_v, [idxv], ones16)

    nloop = (n_chunks - 1) // 2

    load_and_fire(ebase, sidx_a, didx_a, rows_a, sem_a)

    def body(j, carry):
      off = ebase + j * 2 * CHUNK
      load_and_fire(off + CHUNK, sidx_b, didx_b, rows_b, sem_b)
      drain_and_scatter(sidx_a, didx_a, rows_a, sem_a)
      load_and_fire(off + 2 * CHUNK, sidx_a, didx_a, rows_a, sem_a)
      drain_and_scatter(sidx_b, didx_b, rows_b, sem_b)
      return carry

    lax.fori_loop(0, nloop, body, 0)
    drain_and_scatter(sidx_a, didx_a, rows_a, sem_a)
    if n_chunks % 2 == 0:
      off = ebase + (n_chunks - 1) * CHUNK
      load_and_fire(off, sidx_b, didx_b, rows_b, sem_b)
      drain_and_scatter(sidx_b, didx_b, rows_b, sem_b)
    plsc.subcore_barrier()

    out_base = cid * n_rows + base_r
    pltpu.sync_copy(acc_sh.at[pl.ds(base_r, rows_per_sub)],
                    sum_out.at[pl.ds(out_base, rows_per_sub)])
    if with_counts:
      pltpu.sync_copy(cnt_v, cnt_out.at[pl.ds(wid * n_rows, n_rows)])

  return segsum


def _dense_body(relu, s0_ref, s1_ref, c_ref, x_ref, wlt_ref, wrt_ref,
                b_ref, o_ref):
  s = s0_ref[...] + s1_ref[...]
  c = jnp.sum(c_ref[...], axis=0)[:, None]
  mean = s / jnp.maximum(c, 1.0)
  h = (jnp.dot(mean, wlt_ref[...], preferred_element_type=jnp.float32)
       + jnp.dot(x_ref[...], wrt_ref[...], preferred_element_type=jnp.float32)
       + b_ref[...])
  o_ref[...] = jnp.maximum(h, 0.0) if relu else h


def _dense(summed, cntw, x_pad, wl, wr, b, relu, n_rows, block_rows):
  d = x_pad.shape[1]
  grid = (n_rows // block_rows,)
  off = n_rows // block_rows
  body = functools.partial(_dense_body, relu)
  return pl.pallas_call(
      body,
      grid=grid,
      in_specs=[
          pl.BlockSpec((block_rows, d), lambda i: (i, 0)),
          pl.BlockSpec((block_rows, d), lambda i: (i + off, 0)),
          pl.BlockSpec((NUM_WORKERS, block_rows), lambda i: (0, i)),
          pl.BlockSpec((block_rows, d), lambda i: (i, 0)),
          pl.BlockSpec((d, d), lambda i: (0, 0)),
          pl.BlockSpec((d, d), lambda i: (0, 0)),
          pl.BlockSpec((1, d), lambda i: (0, 0)),
      ],
      out_specs=pl.BlockSpec((block_rows, d), lambda i: (i, 0)),
      out_shape=jax.ShapeDtypeStruct((n_rows, d), jnp.float32),
  )(summed, summed, cntw, x_pad, wl.T, wr.T, b.reshape(1, d))


def kernel(x, edge_index, W1l, b1l, W1r, W2l, b2l, W2r):
  n, d = x.shape
  e = edge_index.shape[1]

  epw = -(-e // NUM_WORKERS)
  epw_pad = -(-epw // CHUNK) * CHUNK
  e_pad = epw_pad * NUM_WORKERS
  blk = NUM_SUBCORES * CHUNK
  n_rows = -(-(n + 1) // blk) * blk

  src = edge_index[0].astype(jnp.int32)
  dst = edge_index[1].astype(jnp.int32)
  pad = e_pad - e
  src_p = jnp.concatenate([src, jnp.zeros((pad,), jnp.int32)])
  sent = n + jnp.arange(pad, dtype=jnp.int32) % jnp.int32(n_rows - n)
  dst_p = jnp.concatenate([dst, sent])

  zf = jnp.zeros((n_rows, d), jnp.float32)

  segsum_cnt = _make_segsum(n_rows, d, e_pad, with_counts=True)
  segsum = _make_segsum(n_rows, d, e_pad, with_counts=False)

  summed1, cntw = segsum_cnt(x, src_p, dst_p, zf)
  cntw2 = cntw.reshape(NUM_WORKERS, n_rows)
  x_pad = jnp.concatenate([x, jnp.zeros((n_rows - n, d), x.dtype)])
  h = _dense(summed1, cntw2, x_pad, W1l, W1r, b1l, relu=True,
             n_rows=n_rows, block_rows=1024)
  (summed2,) = segsum(h, src_p, dst_p, zf)
  out = _dense(summed2, cntw2, h, W2l, W2r, b2l, relu=False,
               n_rows=n_rows, block_rows=1024)
  return out[:n]

# --- scband reference (transcript-rebuilt; emitter-appended) ---
"""Pipeline reference for scband-sage-40956808134940 (READ-ONLY COPY).

The authoritative reference and input builder live on the scoring server;
editing this copy changes nothing except your own understanding.
"""

import jax, jax.numpy as jnp
import numpy as np

N = 10000
E = 320000
D_IN = 128
D_HID = 128
D_OUT = 128


def setup_inputs(seed: int = 0) -> dict:
    key = jax.random.key(seed)
    ks = jax.random.split(key, 8)
    x = jax.random.normal(ks[0], (N, D_IN), dtype=jnp.float32)
    edge_index = jax.random.randint(ks[1], (2, E), 0, N, dtype=jnp.int64)
    s1 = 1.0 / np.sqrt(D_IN)
    s2 = 1.0 / np.sqrt(D_HID)
    W1l = jax.random.uniform(ks[2], (D_HID, D_IN), minval=-s1, maxval=s1, dtype=jnp.float32)
    b1l = jnp.zeros((D_HID,), dtype=jnp.float32)
    W1r = jax.random.uniform(ks[3], (D_HID, D_IN), minval=-s1, maxval=s1, dtype=jnp.float32)
    W2l = jax.random.uniform(ks[4], (D_OUT, D_HID), minval=-s2, maxval=s2, dtype=jnp.float32)
    b2l = jnp.zeros((D_OUT,), dtype=jnp.float32)
    W2r = jax.random.uniform(ks[5], (D_OUT, D_HID), minval=-s2, maxval=s2, dtype=jnp.float32)
    return {"x": x, "edge_index": edge_index, "W1l": W1l, "b1l": b1l, "W1r": W1r, "W2l": W2l, "b2l": b2l, "W2r": W2r}


def _sage_conv(x, edge_index, Wl, bl, Wr):
    # PyG SAGEConv (aggr='mean'): out = lin_l(mean_{j in N(i)} x_j) + lin_r(x_i)
    src = edge_index[0]
    dst = edge_index[1]
    msgs = x[src]                                   # gather (SparseCore)
    summed = jax.ops.segment_sum(msgs, dst, num_segments=N)  # scatter-add
    ones = jnp.ones((edge_index.shape[1],), dtype=x.dtype)
    cnt = jax.ops.segment_sum(ones, dst, num_segments=N)
    mean = summed / jnp.clip(cnt, 1.0)[:, None]
    return mean @ Wl.T + bl + x @ Wr.T


def reference(x, edge_index, W1l, b1l, W1r, W2l, b2l, W2r):
    # 2-layer SAGE, eval mode (dropout inactive)
    h = _sage_conv(x, edge_index, W1l, b1l, W1r)
    h = jax.nn.relu(h)
    out = _sage_conv(h, edge_index, W2l, b2l, W2r)
    return out

if __name__ == "__main__":
    import jax
    _d = setup_inputs()
    print(jax.jit(kernel)(*tuple(_d.values())))

</pallas_src>

<mosaic_0001>
#map = affine_map<(d0, d1) -> (0, 0)>
#map1 = affine_map<(d0, d1) -> (0)>
module attributes {stable_mosaic.version = 14 : i64} {
  func.func @segsum(%arg0: i32, %arg1: i32, %arg2: memref<10000x128xf32, #tpu.memory_space<hbm>>, %arg3: memref<323584xi32, #tpu.memory_space<hbm>>, %arg4: memref<323584xi32, #tpu.memory_space<hbm>>, %arg5: memref<10240x128xf32, #tpu.memory_space<hbm>>, %arg6: memref<20480x128xf32, #tpu.memory_space<hbm>>, %arg7: memref<327680xf32, #tpu.memory_space<hbm>>, %arg8: memref<128xi32, #tpu.memory_space<vmem>>, %arg9: memref<128xi32, #tpu.memory_space<vmem>>, %arg10: memref<128x128xf32, #tpu.memory_space<vmem>>, %arg11: memref<!tpu.dma_semaphore, #tpu.memory_space<semaphore_mem>>, %arg12: memref<128xi32, #tpu.memory_space<vmem>>, %arg13: memref<128xi32, #tpu.memory_space<vmem>>, %arg14: memref<128x128xf32, #tpu.memory_space<vmem>>, %arg15: memref<!tpu.dma_semaphore, #tpu.memory_space<semaphore_mem>>, %arg16: memref<10240x128xf32, #tpu.memory_space<vmem_shared>>, %arg17: memref<10240xf32, #tpu.memory_space<vmem>>) attributes {dimension_semantics = [#tpu.dimension_semantics<core_parallel>, #tpu.dimension_semantics<subcore_parallel>], iteration_bounds = array<i64: 2, 16>, scalar_prefetch = 0 : i64, scratch_operands = 10 : i64, tpu.core_type = #tpu.core_type<sc_vector_subcore>, window_params = [{transform_indices = #map}, {transform_indices = #map1}, {transform_indices = #map1}, {transform_indices = #map}, {transform_indices = #map}, {transform_indices = #map1}]} {
    %mul3A = arith.constant 16 : i32
    %mul3A_0 = arith.muli %arg0, %mul3A : i32
    %add3A = arith.addi %mul3A_0, %arg1 : i32
    %mul3A_1 = arith.constant 640 : i32
    %mul3A_2 = arith.muli %arg1, %mul3A_1 : i32
    "tpu.region"() ({
      %run_scoped3A = tpu.sem_alloc : memref<!tpu.dma_semaphore, #tpu.memory_space<semaphore_mem>>
      %dma_start3A_44 = arith.constant 0 : i32
      %dma_start3A_45 = tpu.memref_slice %arg16[%mul3A_2, %dma_start3A_44] : memref<10240x128xf32, #tpu.memory_space<vmem_shared>> -> memref<640x128xf32, #tpu.memory_space<vmem_shared>>
      %dma_start3A_46 = arith.constant 0 : i32
      %dma_start3A_47 = tpu.memref_slice %arg5[%mul3A_2, %dma_start3A_46] : memref<10240x128xf32, #tpu.memory_space<hbm>> -> memref<640x128xf32, #tpu.memory_space<hbm>>
      tpu.enqueue_dma source(%dma_start3A_47 : memref<640x128xf32, #tpu.memory_space<hbm>>) target(%dma_start3A_45 : memref<640x128xf32, #tpu.memory_space<vmem_shared>>) target_semaphore(%run_scoped3A : memref<!tpu.dma_semaphore, #tpu.memory_space<semaphore_mem>>)
      %dma_wait3A_48 = arith.constant 0 : i32
      %dma_wait3A_49 = tpu.memref_slice %arg16[%mul3A_2, %dma_wait3A_48] : memref<10240x128xf32, #tpu.memory_space<vmem_shared>> -> memref<640x128xf32, #tpu.memory_space<vmem_shared>>
      %dma_wait3A_50 = arith.constant 0 : i32
      %dma_wait3A_51 = tpu.memref_slice %arg5[%mul3A_2, %dma_wait3A_50] : memref<10240x128xf32, #tpu.memory_space<hbm>> -> memref<640x128xf32, #tpu.memory_space<hbm>>
      tpu.wait_dma2 semaphore(%run_scoped3A : memref<!tpu.dma_semaphore, #tpu.memory_space<semaphore_mem>>) src(%dma_wait3A_51 : memref<640x128xf32, #tpu.memory_space<hbm>>) dst(%dma_wait3A_49 : memref<640x128xf32, #tpu.memory_space<vmem_shared>>)
      tpu.yield
    }) : () -> ()
    %broadcast_in_dim3A = arith.constant 0.000000e+00 : f32
    %broadcast_in_dim3A_3 = vector.broadcast %broadcast_in_dim3A : f32 to vector<16xf32>
    %scan3A = arith.constant 0 : i32
    %scan3A_4 = arith.constant 0 : i32
    %scan3A_5 = arith.constant 640 : i32
    %scan3A_6 = arith.addi %scan3A_4, %scan3A_5 : i32
    %scan3A_7 = arith.constant 1 : i32
    scf.for %scan3A_44 = %scan3A_4 to %scan3A_6 step %scan3A_7  : i32 {
      %mul3A_45 = arith.constant 16 : i32
      %mul3A_46 = arith.muli %scan3A_44, %mul3A_45 : i32
      %swap3A = arith.index_cast %mul3A_46 : i32 to index
      %swap3A_47 = tpu.vector_load %arg17[%swap3A] {strides = array<i32>} : memref<10240xf32, #tpu.memory_space<vmem>>, vector<16xf32>,
      tpu.vector_store %arg17[%swap3A], %broadcast_in_dim3A_3 {strides = array<i32>} : memref<10240xf32, #tpu.memory_space<vmem>>, vector<16xf32>,
    }
    %scan3A_8 = arith.constant 640 : i32
    %barrier3A = arith.constant 0 : index
    tpu.barrier barrier_id(%barrier3A)
    %mul3A_9 = arith.constant 10112 : i32
    %mul3A_10 = arith.muli %add3A, %mul3A_9 : i32
    %broadcast_in_dim3A_11 = arith.constant 1.000000e+00 : f32
    %broadcast_in_dim3A_12 = vector.broadcast %broadcast_in_dim3A_11 : f32 to vector<16xf32>
    "tpu.region"() ({
      %run_scoped3A = tpu.sem_alloc : memref<!tpu.dma_semaphore, #tpu.memory_space<semaphore_mem>>
      %dma_start3A_44 = tpu.memref_slice %arg3[%mul3A_10] : memref<323584xi32, #tpu.memory_space<hbm>> -> memref<128xi32, #tpu.memory_space<hbm>>
      %dma_start3A_45 = tpu.memref_slice %arg3[%mul3A_10] : memref<323584xi32, #tpu.memory_space<hbm>> -> memref<128xi32, #tpu.memory_space<hbm>>
      tpu.enqueue_dma source(%dma_start3A_45 : memref<128xi32, #tpu.memory_space<hbm>>) target(%arg8 : memref<128xi32, #tpu.memory_space<vmem>>) target_semaphore(%run_scoped3A : memref<!tpu.dma_semaphore, #tpu.memory_space<semaphore_mem>>)
      %dma_wait3A_46 = tpu.memref_slice %arg3[%mul3A_10] : memref<323584xi32, #tpu.memory_space<hbm>> -> memref<128xi32, #tpu.memory_space<hbm>>
      %dma_wait3A_47 = tpu.memref_slice %arg3[%mul3A_10] : memref<323584xi32, #tpu.memory_space<hbm>> -> memref<128xi32, #tpu.memory_space<hbm>>
      tpu.wait_dma2 semaphore(%run_scoped3A : memref<!tpu.dma_semaphore, #tpu.memory_space<semaphore_mem>>) src(%dma_wait3A_47 : memref<128xi32, #tpu.memory_space<hbm>>) dst(%arg8 : memref<128xi32, #tpu.memory_space<vmem>>)
      tpu.yield
    }) : () -> ()
    "tpu.region"() ({
      %run_scoped3A = tpu.sem_alloc : memref<!tpu.dma_semaphore, #tpu.memory_space<semaphore_mem>>
      %dma_start3A_44 = tpu.memref_slice %arg4[%mul3A_10] : memref<323584xi32, #tpu.memory_space<hbm>> -> memref<128xi32, #tpu.memory_space<hbm>>
      %dma_start3A_45 = tpu.memref_slice %arg4[%mul3A_10] : memref<323584xi32, #tpu.memory_space<hbm>> -> memref<128xi32, #tpu.memory_space<hbm>>
      tpu.enqueue_dma source(%dma_start3A_45 : memref<128xi32, #tpu.memory_space<hbm>>) target(%arg9 : memref<128xi32, #tpu.memory_space<vmem>>) target_semaphore(%run_scoped3A : memref<!tpu.dma_semaphore, #tpu.memory_space<semaphore_mem>>)
      %dma_wait3A_46 = tpu.memref_slice %arg4[%mul3A_10] : memref<323584xi32, #tpu.memory_space<hbm>> -> memref<128xi32, #tpu.memory_space<hbm>>
      %dma_wait3A_47 = tpu.memref_slice %arg4[%mul3A_10] : memref<323584xi32, #tpu.memory_space<hbm>> -> memref<128xi32, #tpu.memory_space<hbm>>
      tpu.wait_dma2 semaphore(%run_scoped3A : memref<!tpu.dma_semaphore, #tpu.memory_space<semaphore_mem>>) src(%dma_wait3A_47 : memref<128xi32, #tpu.memory_space<hbm>>) dst(%arg9 : memref<128xi32, #tpu.memory_space<vmem>>)
      tpu.yield
    }) : () -> ()
    %dma_start3A = arith.constant 0 : i32
    %dma_start3A_13 = arith.constant 0 : i32
    %dma_start3A_14 = tpu.memref_slice %arg2[%dma_start3A, %dma_start3A_13] : memref<10000x128xf32, #tpu.memory_space<hbm>> -> memref<10000x128xf32, #tpu.memory_space<hbm>>
    tpu.enqueue_indirect_dma source(%dma_start3A_14 : memref<10000x128xf32, #tpu.memory_space<hbm>>) target(%arg10 : memref<128x128xf32, #tpu.memory_space<vmem>>) offsets(%arg8 : memref<128xi32, #tpu.memory_space<vmem>>) semaphore(%arg11 : memref<!tpu.dma_semaphore, #tpu.memory_space<semaphore_mem>>)
    %scan3A_15 = arith.constant 0 : i32
    %scan3A_16 = arith.constant 0 : i32
    %scan3A_17 = arith.constant 39 : i32
    %scan3A_18 = arith.addi %scan3A_16, %scan3A_17 : i32
    %scan3A_19 = arith.constant 1 : i32
    scf.for %scan3A_44 = %scan3A_16 to %scan3A_18 step %scan3A_19  : i32 {
      %mul3A_45 = arith.constant 2 : i32
      %mul3A_46 = arith.muli %scan3A_44, %mul3A_45 : i32
      %mul3A_47 = arith.constant 128 : i32
      %mul3A_48 = arith.muli %mul3A_46, %mul3A_47 : i32
      %add3A_49 = arith.addi %mul3A_10, %mul3A_48 : i32
      %add3A_50 = arith.constant 128 : i32
      %add3A_51 = arith.addi %add3A_49, %add3A_50 : i32
      "tpu.region"() ({
        %run_scoped3A = tpu.sem_alloc : memref<!tpu.dma_semaphore, #tpu.memory_space<semaphore_mem>>
        %dma_start3A_98 = tpu.memref_slice %arg3[%add3A_51] : memref<323584xi32, #tpu.memory_space<hbm>> -> memref<128xi32, #tpu.memory_space<hbm>>
        %dma_start3A_99 = tpu.memref_slice %arg3[%add3A_51] : memref<323584xi32, #tpu.memory_space<hbm>> -> memref<128xi32, #tpu.memory_space<hbm>>
        tpu.enqueue_dma source(%dma_start3A_99 : memref<128xi32, #tpu.memory_space<hbm>>) target(%arg12 : memref<128xi32, #tpu.memory_space<vmem>>) target_semaphore(%run_scoped3A : memref<!tpu.dma_semaphore, #tpu.memory_space<semaphore_mem>>)
        %dma_wait3A_100 = tpu.memref_slice %arg3[%add3A_51] : memref<323584xi32, #tpu.memory_space<hbm>> -> memref<128xi32, #tpu.memory_space<hbm>>
        %dma_wait3A_101 = tpu.memref_slice %arg3[%add3A_51] : memref<323584xi32, #tpu.memory_space<hbm>> -> memref<128xi32, #tpu.memory_space<hbm>>
        tpu.wait_dma2 semaphore(%run_scoped3A : memref<!tpu.dma_semaphore, #tpu.memory_space<semaphore_mem>>) src(%dma_wait3A_101 : memref<128xi32, #tpu.memory_space<hbm>>) dst(%arg12 : memref<128xi32, #tpu.memory_space<vmem>>)
        tpu.yield
      }) : () -> ()
      "tpu.region"() ({
        %run_scoped3A = tpu.sem_alloc : memref<!tpu.dma_semaphore, #tpu.memory_space<semaphore_mem>>
        %dma_start3A_98 = tpu.memref_slice %arg4[%add3A_51] : memref<323584xi32, #tpu.memory_space<hbm>> -> memref<128xi32, #tpu.memory_space<hbm>>
        %dma_start3A_99 = tpu.memref_slice %arg4[%add3A_51] : memref<323584xi32, #tpu.memory_space<hbm>> -> memref<128xi32, #tpu.memory_space<hbm>>
        tpu.enqueue_dma source(%dma_start3A_99 : memref<128xi32, #tpu.memory_space<hbm>>) target(%arg13 : memref<128xi32, #tpu.memory_space<vmem>>) target_semaphore(%run_scoped3A : memref<!tpu.dma_semaphore, #tpu.memory_space<semaphore_mem>>)
        %dma_wait3A_100 = tpu.memref_slice %arg4[%add3A_51] : memref<323584xi32, #tpu.memory_space<hbm>> -> memref<128xi32, #tpu.memory_space<hbm>>
        %dma_wait3A_101 = tpu.memref_slice %arg4[%add3A_51] : memref<323584xi32, #tpu.memory_space<hbm>> -> memref<128xi32, #tpu.memory_space<hbm>>
        tpu.wait_dma2 semaphore(%run_scoped3A : memref<!tpu.dma_semaphore, #tpu.memory_space<semaphore_mem>>) src(%dma_wait3A_101 : memref<128xi32, #tpu.memory_space<hbm>>) dst(%arg13 : memref<128xi32, #tpu.memory_space<vmem>>)
        tpu.yield
      }) : () -> ()
      %dma_start3A_52 = arith.constant 0 : i32
      %dma_start3A_53 = arith.constant 0 : i32
      %dma_start3A_54 = tpu.memref_slice %arg2[%dma_start3A_52, %dma_start3A_53] : memref<10000x128xf32, #tpu.memory_space<hbm>> -> memref<10000x128xf32, #tpu.memory_space<hbm>>
      tpu.enqueue_indirect_dma source(%dma_start3A_54 : memref<10000x128xf32, #tpu.memory_space<hbm>>) target(%arg14 : memref<128x128xf32, #tpu.memory_space<vmem>>) offsets(%arg12 : memref<128xi32, #tpu.memory_space<vmem>>) semaphore(%arg15 : memref<!tpu.dma_semaphore, #tpu.memory_space<semaphore_mem>>)
      %dma_wait3A_55 = arith.constant 0 : i32
      %dma_wait3A_56 = arith.constant 0 : i32
      %dma_wait3A_57 = tpu.memref_slice %arg2[%dma_wait3A_55, %dma_wait3A_56] : memref<10000x128xf32, #tpu.memory_space<hbm>> -> memref<10000x128xf32, #tpu.memory_space<hbm>>
      tpu.wait_indirect_dma semaphore(%arg11 : memref<!tpu.dma_semaphore, #tpu.memory_space<semaphore_mem>>) src(%dma_wait3A_57 : memref<10000x128xf32, #tpu.memory_space<hbm>>) dst(%arg10 : memref<128x128xf32, #tpu.memory_space<vmem>>)
      "tpu.region"() ({
        %run_scoped3A = tpu.sem_alloc : memref<!tpu.dma_semaphore, #tpu.memory_space<semaphore_mem>>
        %dma_start3A_98 = arith.constant 0 : i32
        %dma_start3A_99 = arith.constant 0 : i32
        %dma_start3A_100 = tpu.memref_slice %arg16[%dma_start3A_98, %dma_start3A_99] : memref<10240x128xf32, #tpu.memory_space<vmem_shared>> -> memref<10240x128xf32, #tpu.memory_space<vmem_shared>>
        tpu.enqueue_indirect_dma source(%arg10 : memref<128x128xf32, #tpu.memory_space<vmem>>) target(%dma_start3A_100 : memref<10240x128xf32, #tpu.memory_space<vmem_shared>>) offsets(%arg9 : memref<128xi32, #tpu.memory_space<vmem>>) semaphore(%run_scoped3A : memref<!tpu.dma_semaphore, #tpu.memory_space<semaphore_mem>>) {add = true}
        %dma_wait3A_101 = arith.constant 0 : i32
        %dma_wait3A_102 = arith.constant 0 : i32
        %dma_wait3A_103 = tpu.memref_slice %arg16[%dma_wait3A_101, %dma_wait3A_102] : memref<10240x128xf32, #tpu.memory_space<vmem_shared>> -> memref<10240x128xf32, #tpu.memory_space<vmem_shared>>
        tpu.wait_indirect_dma semaphore(%run_scoped3A : memref<!tpu.dma_semaphore, #tpu.memory_space<semaphore_mem>>) src(%arg10 : memref<128x128xf32, #tpu.memory_space<vmem>>) dst(%dma_wait3A_103 : memref<10240x128xf32, #tpu.memory_space<vmem_shared>>)
        tpu.yield
      }) : () -> ()
      %get3A_58 = arith.constant 0 : index
      %get3A_59 = tpu.vector_load %arg9[%get3A_58] {strides = array<i32>} : memref<128xi32, #tpu.memory_space<vmem>>, vector<16xi32>,
      tpu.vector_store_idx %arg17[%get3A_59], %broadcast_in_dim3A_12 {add = true} : memref<10240xf32, #tpu.memory_space<vmem>>[vector<16xi32>], vector<16xf32>,
      %get3A_60 = arith.constant 16 : index
      %get3A_61 = tpu.vector_load %arg9[%get3A_60] {strides = array<i32>} : memref<128xi32, #tpu.memory_space<vmem>>, vector<16xi32>,
      tpu.vector_store_idx %arg17[%get3A_61], %broadcast_in_dim3A_12 {add = true} : memref<10240xf32, #tpu.memory_space<vmem>>[vector<16xi32>], vector<16xf32>,
      %get3A_62 = arith.constant 32 : index
      %get3A_63 = tpu.vector_load %arg9[%get3A_62] {strides = array<i32>} : memref<128xi32, #tpu.memory_space<vmem>>, vector<16xi32>,
      tpu.vector_store_idx %arg17[%get3A_63], %broadcast_in_dim3A_12 {add = true} : memref<10240xf32, #tpu.memory_space<vmem>>[vector<16xi32>], vector<16xf32>,
      %get3A_64 = arith.constant 48 : index
      %get3A_65 = tpu.vector_load %arg9[%get3A_64] {strides = array<i32>} : memref<128xi32, #tpu.memory_space<vmem>>, vector<16xi32>,
      tpu.vector_store_idx %arg17[%get3A_65], %broadcast_in_dim3A_12 {add = true} : memref<10240xf32, #tpu.memory_space<vmem>>[vector<16xi32>], vector<16xf32>,
      %get3A_66 = arith.constant 64 : index
      %get3A_67 = tpu.vector_load %arg9[%get3A_66] {strides = array<i32>} : memref<128xi32, #tpu.memory_space<vmem>>, vector<16xi32>,
      tpu.vector_store_idx %arg17[%get3A_67], %broadcast_in_dim3A_12 {add = true} : memref<10240xf32, #tpu.memory_space<vmem>>[vector<16xi32>], vector<16xf32>,
      %get3A_68 = arith.constant 80 : index
      %get3A_69 = tpu.vector_load %arg9[%get3A_68] {strides = array<i32>} : memref<128xi32, #tpu.memory_space<vmem>>, vector<16xi32>,
      tpu.vector_store_idx %arg17[%get3A_69], %broadcast_in_dim3A_12 {add = true} : memref<10240xf32, #tpu.memory_space<vmem>>[vector<16xi32>], vector<16xf32>,
      %get3A_70 = arith.constant 96 : index
      %get3A_71 = tpu.vector_load %arg9[%get3A_70] {strides = array<i32>} : memref<128xi32, #tpu.memory_space<vmem>>, vector<16xi32>,
      tpu.vector_store_idx %arg17[%get3A_71], %broadcast_in_dim3A_12 {add = true} : memref<10240xf32, #tpu.memory_space<vmem>>[vector<16xi32>], vector<16xf32>,
      %get3A_72 = arith.constant 112 : index
      %get3A_73 = tpu.vector_load %arg9[%get3A_72] {strides = array<i32>} : memref<128xi32, #tpu.memory_space<vmem>>, vector<16xi32>,
      tpu.vector_store_idx %arg17[%get3A_73], %broadcast_in_dim3A_12 {add = true} : memref<10240xf32, #tpu.memory_space<vmem>>[vector<16xi32>], vector<16xf32>,
      %add3A_74 = arith.constant 256 : i32
      %add3A_75 = arith.addi %add3A_49, %add3A_74 : i32
      "tpu.region"() ({
        %run_scoped3A = tpu.sem_alloc : memref<!tpu.dma_semaphore, #tpu.memory_space<semaphore_mem>>
        %dma_start3A_98 = tpu.memref_slice %arg3[%add3A_75] : memref<323584xi32, #tpu.memory_space<hbm>> -> memref<128xi32, #tpu.memory_space<hbm>>
        %dma_start3A_99 = tpu.memref_slice %arg3[%add3A_75] : memref<323584xi32, #tpu.memory_space<hbm>> -> memref<128xi32, #tpu.memory_space<hbm>>
        tpu.enqueue_dma source(%dma_start3A_99 : memref<128xi32, #tpu.memory_space<hbm>>) target(%arg8 : memref<128xi32, #tpu.memory_space<vmem>>) target_semaphore(%run_scoped3A : memref<!tpu.dma_semaphore, #tpu.memory_space<semaphore_mem>>)
        %dma_wait3A_100 = tpu.memref_slice %arg3[%add3A_75] : memref<323584xi32, #tpu.memory_space<hbm>> -> memref<128xi32, #tpu.memory_space<hbm>>
        %dma_wait3A_101 = tpu.memref_slice %arg3[%add3A_75] : memref<323584xi32, #tpu.memory_space<hbm>> -> memref<128xi32, #tpu.memory_space<hbm>>
        tpu.wait_dma2 semaphore(%run_scoped3A : memref<!tpu.dma_semaphore, #tpu.memory_space<semaphore_mem>>) src(%dma_wait3A_101 : memref<128xi32, #tpu.memory_space<hbm>>) dst(%arg8 : memref<128xi32, #tpu.memory_space<vmem>>)
        tpu.yield
      }) : () -> ()
      "tpu.region"() ({
        %run_scoped3A = tpu.sem_alloc : memref<!tpu.dma_semaphore, #tpu.memory_space<semaphore_mem>>
        %dma_start3A_98 = tpu.memref_slice %arg4[%add3A_75] : memref<323584xi32, #tpu.memory_space<hbm>> -> memref<128xi32, #tpu.memory_space<hbm>>
        %dma_start3A_99 = tpu.memref_slice %arg4[%add3A_75] : memref<323584xi32, #tpu.memory_space<hbm>> -> memref<128xi32, #tpu.memory_space<hbm>>
        tpu.enqueue_dma source(%dma_start3A_99 : memref<128xi32, #tpu.memory_space<hbm>>) target(%arg9 : memref<128xi32, #tpu.memory_space<vmem>>) target_semaphore(%run_scoped3A : memref<!tpu.dma_semaphore, #tpu.memory_space<semaphore_mem>>)
        %dma_wait3A_100 = tpu.memref_slice %arg4[%add3A_75] : memref<323584xi32, #tpu.memory_space<hbm>> -> memref<128xi32, #tpu.memory_space<hbm>>
        %dma_wait3A_101 = tpu.memref_slice %arg4[%add3A_75] : memref<323584xi32, #tpu.memory_space<hbm>> -> memref<128xi32, #tpu.memory_space<hbm>>
        tpu.wait_dma2 semaphore(%run_scoped3A : memref<!tpu.dma_semaphore, #tpu.memory_space<semaphore_mem>>) src(%dma_wait3A_101 : memref<128xi32, #tpu.memory_space<hbm>>) dst(%arg9 : memref<128xi32, #tpu.memory_space<vmem>>)
        tpu.yield
      }) : () -> ()
      %dma_start3A_76 = arith.constant 0 : i32
      %dma_start3A_77 = arith.constant 0 : i32
      %dma_start3A_78 = tpu.memref_slice %arg2[%dma_start3A_76, %dma_start3A_77] : memref<10000x128xf32, #tpu.memory_space<hbm>> -> memref<10000x128xf32, #tpu.memory_space<hbm>>
      tpu.enqueue_indirect_dma source(%dma_start3A_78 : memref<10000x128xf32, #tpu.memory_space<hbm>>) target(%arg10 : memref<128x128xf32, #tpu.memory_space<vmem>>) offsets(%arg8 : memref<128xi32, #tpu.memory_space<vmem>>) semaphore(%arg11 : memref<!tpu.dma_semaphore, #tpu.memory_space<semaphore_mem>>)
      %dma_wait3A_79 = arith.constant 0 : i32
      %dma_wait3A_80 = arith.constant 0 : i32
      %dma_wait3A_81 = tpu.memref_slice %arg2[%dma_wait3A_79, %dma_wait3A_80] : memref<10000x128xf32, #tpu.memory_space<hbm>> -> memref<10000x128xf32, #tpu.memory_space<hbm>>
      tpu.wait_indirect_dma semaphore(%arg15 : memref<!tpu.dma_semaphore, #tpu.memory_space<semaphore_mem>>) src(%dma_wait3A_81 : memref<10000x128xf32, #tpu.memory_space<hbm>>) dst(%arg14 : memref<128x128xf32, #tpu.memory_space<vmem>>)
      "tpu.region"() ({
        %run_scoped3A = tpu.sem_alloc : memref<!tpu.dma_semaphore, #tpu.memory_space<semaphore_mem>>
        %dma_start3A_98 = arith.constant 0 : i32
        %dma_start3A_99 = arith.constant 0 : i32
        %dma_start3A_100 = tpu.memref_slice %arg16[%dma_start3A_98, %dma_start3A_99] : memref<10240x128xf32, #tpu.memory_space<vmem_shared>> -> memref<10240x128xf32, #tpu.memory_space<vmem_shared>>
        tpu.enqueue_indirect_dma source(%arg14 : memref<128x128xf32, #tpu.memory_space<vmem>>) target(%dma_start3A_100 : memref<10240x128xf32, #tpu.memory_space<vmem_shared>>) offsets(%arg13 : memref<128xi32, #tpu.memory_space<vmem>>) semaphore(%run_scoped3A : memref<!tpu.dma_semaphore, #tpu.memory_space<semaphore_mem>>) {add = true}
        %dma_wait3A_101 = arith.constant 0 : i32
        %dma_wait3A_102 = arith.constant 0 : i32
        %dma_wait3A_103 = tpu.memref_slice %arg16[%dma_wait3A_101, %dma_wait3A_102] : memref<10240x128xf32, #tpu.memory_space<vmem_shared>> -> memref<10240x128xf32, #tpu.memory_space<vmem_shared>>
        tpu.wait_indirect_dma semaphore(%run_scoped3A : memref<!tpu.dma_semaphore, #tpu.memory_space<semaphore_mem>>) src(%arg14 : memref<128x128xf32, #tpu.memory_space<vmem>>) dst(%dma_wait3A_103 : memref<10240x128xf32, #tpu.memory_space<vmem_shared>>)
        tpu.yield
      }) : () -> ()
      %get3A_82 = arith.constant 0 : index
      %get3A_83 = tpu.vector_load %arg13[%get3A_82] {strides = array<i32>} : memref<128xi32, #tpu.memory_space<vmem>>, vector<16xi32>,
      tpu.vector_store_idx %arg17[%get3A_83], %broadcast_in_dim3A_12 {add = true} : memref<10240xf32, #tpu.memory_space<vmem>>[vector<16xi32>], vector<16xf32>,
      %get3A_84 = arith.constant 16 : index
      %get3A_85 = tpu.vector_load %arg13[%get3A_84] {strides = array<i32>} : memref<128xi32, #tpu.memory_space<vmem>>, vector<16xi32>,
      tpu.vector_store_idx %arg17[%get3A_85], %broadcast_in_dim3A_12 {add = true} : memref<10240xf32, #tpu.memory_space<vmem>>[vector<16xi32>], vector<16xf32>,
      %get3A_86 = arith.constant 32 : index
      %get3A_87 = tpu.vector_load %arg13[%get3A_86] {strides = array<i32>} : memref<128xi32, #tpu.memory_space<vmem>>, vector<16xi32>,
      tpu.vector_store_idx %arg17[%get3A_87], %broadcast_in_dim3A_12 {add = true} : memref<10240xf32, #tpu.memory_space<vmem>>[vector<16xi32>], vector<16xf32>,
      %get3A_88 = arith.constant 48 : index
      %get3A_89 = tpu.vector_load %arg13[%get3A_88] {strides = array<i32>} : memref<128xi32, #tpu.memory_space<vmem>>, vector<16xi32>,
      tpu.vector_store_idx %arg17[%get3A_89], %broadcast_in_dim3A_12 {add = true} : memref<10240xf32, #tpu.memory_space<vmem>>[vector<16xi32>], vector<16xf32>,
      %get3A_90 = arith.constant 64 : index
      %get3A_91 = tpu.vector_load %arg13[%get3A_90] {strides = array<i32>} : memref<128xi32, #tpu.memory_space<vmem>>, vector<16xi32>,
      tpu.vector_store_idx %arg17[%get3A_91], %broadcast_in_dim3A_12 {add = true} : memref<10240xf32, #tpu.memory_space<vmem>>[vector<16xi32>], vector<16xf32>,
      %get3A_92 = arith.constant 80 : index
      %get3A_93 = tpu.vector_load %arg13[%get3A_92] {strides = array<i32>} : memref<128xi32, #tpu.memory_space<vmem>>, vector<16xi32>,
      tpu.vector_store_idx %arg17[%get3A_93], %broadcast_in_dim3A_12 {add = true} : memref<10240xf32, #tpu.memory_space<vmem>>[vector<16xi32>], vector<16xf32>,
      %get3A_94 = arith.constant 96 : index
      %get3A_95 = tpu.vector_load %arg13[%get3A_94] {strides = array<i32>} : memref<128xi32, #tpu.memory_space<vmem>>, vector<16xi32>,
      tpu.vector_store_idx %arg17[%get3A_95], %broadcast_in_dim3A_12 {add = true} : memref<10240xf32, #tpu.memory_space<vmem>>[vector<16xi32>], vector<16xf32>,
      %get3A_96 = arith.constant 112 : index
      %get3A_97 = tpu.vector_load %arg13[%get3A_96] {strides = array<i32>} : memref<128xi32, #tpu.memory_space<vmem>>, vector<16xi32>,
      tpu.vector_store_idx %arg17[%get3A_97], %broadcast_in_dim3A_12 {add = true} : memref<10240xf32, #tpu.memory_space<vmem>>[vector<16xi32>], vector<16xf32>,
    }
    %scan3A_20 = arith.constant 39 : i32
    %dma_wait3A = arith.constant 0 : i32
    %dma_wait3A_21 = arith.constant 0 : i32
    %dma_wait3A_22 = tpu.memref_slice %arg2[%dma_wait3A, %dma_wait3A_21] : memref<10000x128xf32, #tpu.memory_space<hbm>> -> memref<10000x128xf32, #tpu.memory_space<hbm>>
    tpu.wait_indirect_dma semaphore(%arg11 : memref<!tpu.dma_semaphore, #tpu.memory_space<semaphore_mem>>) src(%dma_wait3A_22 : memref<10000x128xf32, #tpu.memory_space<hbm>>) dst(%arg10 : memref<128x128xf32, #tpu.memory_space<vmem>>)
    "tpu.region"() ({
      %run_scoped3A = tpu.sem_alloc : memref<!tpu.dma_semaphore, #tpu.memory_space<semaphore_mem>>
      %dma_start3A_44 = arith.constant 0 : i32
      %dma_start3A_45 = arith.constant 0 : i32
      %dma_start3A_46 = tpu.memref_slice %arg16[%dma_start3A_44, %dma_start3A_45] : memref<10240x128xf32, #tpu.memory_space<vmem_shared>> -> memref<10240x128xf32, #tpu.memory_space<vmem_shared>>
      tpu.enqueue_indirect_dma source(%arg10 : memref<128x128xf32, #tpu.memory_space<vmem>>) target(%dma_start3A_46 : memref<10240x128xf32, #tpu.memory_space<vmem_shared>>) offsets(%arg9 : memref<128xi32, #tpu.memory_space<vmem>>) semaphore(%run_scoped3A : memref<!tpu.dma_semaphore, #tpu.memory_space<semaphore_mem>>) {add = true}
      %dma_wait3A_47 = arith.constant 0 : i32
      %dma_wait3A_48 = arith.constant 0 : i32
      %dma_wait3A_49 = tpu.memref_slice %arg16[%dma_wait3A_47, %dma_wait3A_48] : memref<10240x128xf32, #tpu.memory_space<vmem_shared>> -> memref<10240x128xf32, #tpu.memory_space<vmem_shared>>
      tpu.wait_indirect_dma semaphore(%run_scoped3A : memref<!tpu.dma_semaphore, #tpu.memory_space<semaphore_mem>>) src(%arg10 : memref<128x128xf32, #tpu.memory_space<vmem>>) dst(%dma_wait3A_49 : memref<10240x128xf32, #tpu.memory_space<vmem_shared>>)
      tpu.yield
    }) : () -> ()
    %get3A = arith.constant 0 : index
    %get3A_23 = tpu.vector_load %arg9[%get3A] {strides = array<i32>} : memref<128xi32, #tpu.memory_space<vmem>>, vector<16xi32>,
    tpu.vector_store_idx %arg17[%get3A_23], %broadcast_in_dim3A_12 {add = true} : memref<10240xf32, #tpu.memory_space<vmem>>[vector<16xi32>], vector<16xf32>,
    %get3A_24 = arith.constant 16 : index
    %get3A_25 = tpu.vector_load %arg9[%get3A_24] {strides = array<i32>} : memref<128xi32, #tpu.memory_space<vmem>>, vector<16xi32>,
    tpu.vector_store_idx %arg17[%get3A_25], %broadcast_in_dim3A_12 {add = true} : memref<10240xf32, #tpu.memory_space<vmem>>[vector<16xi32>], vector<16xf32>,
    %get3A_26 = arith.constant 32 : index
    %get3A_27 = tpu.vector_load %arg9[%get3A_26] {strides = array<i32>} : memref<128xi32, #tpu.memory_space<vmem>>, vector<16xi32>,
    tpu.vector_store_idx %arg17[%get3A_27], %broadcast_in_dim3A_12 {add = true} : memref<10240xf32, #tpu.memory_space<vmem>>[vector<16xi32>], vector<16xf32>,
    %get3A_28 = arith.constant 48 : index
    %get3A_29 = tpu.vector_load %arg9[%get3A_28] {strides = array<i32>} : memref<128xi32, #tpu.memory_space<vmem>>, vector<16xi32>,
    tpu.vector_store_idx %arg17[%get3A_29], %broadcast_in_dim3A_12 {add = true} : memref<10240xf32, #tpu.memory_space<vmem>>[vector<16xi32>], vector<16xf32>,
    %get3A_30 = arith.constant 64 : index
    %get3A_31 = tpu.vector_load %arg9[%get3A_30] {strides = array<i32>} : memref<128xi32, #tpu.memory_space<vmem>>, vector<16xi32>,
    tpu.vector_store_idx %arg17[%get3A_31], %broadcast_in_dim3A_12 {add = true} : memref<10240xf32, #tpu.memory_space<vmem>>[vector<16xi32>], vector<16xf32>,
    %get3A_32 = arith.constant 80 : index
    %get3A_33 = tpu.vector_load %arg9[%get3A_32] {strides = array<i32>} : memref<128xi32, #tpu.memory_space<vmem>>, vector<16xi32>,
    tpu.vector_store_idx %arg17[%get3A_33], %broadcast_in_dim3A_12 {add = true} : memref<10240xf32, #tpu.memory_space<vmem>>[vector<16xi32>], vector<16xf32>,
    %get3A_34 = arith.constant 96 : index
    %get3A_35 = tpu.vector_load %arg9[%get3A_34] {strides = array<i32>} : memref<128xi32, #tpu.memory_space<vmem>>, vector<16xi32>,
    tpu.vector_store_idx %arg17[%get3A_35], %broadcast_in_dim3A_12 {add = true} : memref<10240xf32, #tpu.memory_space<vmem>>[vector<16xi32>], vector<16xf32>,
    %get3A_36 = arith.constant 112 : index
    %get3A_37 = tpu.vector_load %arg9[%get3A_36] {strides = array<i32>} : memref<128xi32, #tpu.memory_space<vmem>>, vector<16xi32>,
    tpu.vector_store_idx %arg17[%get3A_37], %broadcast_in_dim3A_12 {add = true} : memref<10240xf32, #tpu.memory_space<vmem>>[vector<16xi32>], vector<16xf32>,
    %barrier3A_38 = arith.constant 0 : index
    tpu.barrier barrier_id(%barrier3A_38)
    %mul3A_39 = arith.constant 10240 : i32
    %mul3A_40 = arith.muli %arg0, %mul3A_39 : i32
    %add3A_41 = arith.addi %mul3A_40, %mul3A_2 : i32
    "tpu.region"() ({
      %run_scoped3A = tpu.sem_alloc : memref<!tpu.dma_semaphore, #tpu.memory_space<semaphore_mem>>
      %dma_start3A_44 = arith.constant 0 : i32
      %dma_start3A_45 = tpu.memref_slice %arg6[%add3A_41, %dma_start3A_44] : memref<20480x128xf32, #tpu.memory_space<hbm>> -> memref<640x128xf32, #tpu.memory_space<hbm>>
      %dma_start3A_46 = arith.constant 0 : i32
      %dma_start3A_47 = tpu.memref_slice %arg16[%mul3A_2, %dma_start3A_46] : memref<10240x128xf32, #tpu.memory_space<vmem_shared>> -> memref<640x128xf32, #tpu.memory_space<vmem_shared>>
      tpu.enqueue_dma source(%dma_start3A_47 : memref<640x128xf32, #tpu.memory_space<vmem_shared>>) target(%dma_start3A_45 : memref<640x128xf32, #tpu.memory_space<hbm>>) target_semaphore(%run_scoped3A : memref<!tpu.dma_semaphore, #tpu.memory_space<semaphore_mem>>)
      %dma_wait3A_48 = arith.constant 0 : i32
      %dma_wait3A_49 = tpu.memref_slice %arg6[%add3A_41, %dma_wait3A_48] : memref<20480x128xf32, #tpu.memory_space<hbm>> -> memref<640x128xf32, #tpu.memory_space<hbm>>
      %dma_wait3A_50 = arith.constant 0 : i32
      %dma_wait3A_51 = tpu.memref_slice %arg16[%mul3A_2, %dma_wait3A_50] : memref<10240x128xf32, #tpu.memory_space<vmem_shared>> -> memref<640x128xf32, #tpu.memory_space<vmem_shared>>
      tpu.wait_dma2 semaphore(%run_scoped3A : memref<!tpu.dma_semaphore, #tpu.memory_space<semaphore_mem>>) src(%dma_wait3A_51 : memref<640x128xf32, #tpu.memory_space<vmem_shared>>) dst(%dma_wait3A_49 : memref<640x128xf32, #tpu.memory_space<hbm>>)
      tpu.yield
    }) : () -> ()
    %mul3A_42 = arith.constant 10240 : i32
    %mul3A_43 = arith.muli %add3A, %mul3A_42 : i32
    "tpu.region"() ({
      %run_scoped3A = tpu.sem_alloc : memref<!tpu.dma_semaphore, #tpu.memory_space<semaphore_mem>>
      %dma_start3A_44 = tpu.memref_slice %arg7[%mul3A_43] : memref<327680xf32, #tpu.memory_space<hbm>> -> memref<10240xf32, #tpu.memory_space<hbm>>
      %dma_start3A_45 = tpu.memref_slice %arg7[%mul3A_43] : memref<327680xf32, #tpu.memory_space<hbm>> -> memref<10240xf32, #tpu.memory_space<hbm>>
      tpu.enqueue_dma source(%arg17 : memref<10240xf32, #tpu.memory_space<vmem>>) target(%dma_start3A_45 : memref<10240xf32, #tpu.memory_space<hbm>>) target_semaphore(%run_scoped3A : memref<!tpu.dma_semaphore, #tpu.memory_space<semaphore_mem>>)
      %dma_wait3A_46 = tpu.memref_slice %arg7[%mul3A_43] : memref<327680xf32, #tpu.memory_space<hbm>> -> memref<10240xf32, #tpu.memory_space<hbm>>
      %dma_wait3A_47 = tpu.memref_slice %arg7[%mul3A_43] : memref<327680xf32, #tpu.memory_space<hbm>> -> memref<10240xf32, #tpu.memory_space<hbm>>
      tpu.wait_dma2 semaphore(%run_scoped3A : memref<!tpu.dma_semaphore, #tpu.memory_space<semaphore_mem>>) src(%arg17 : memref<10240xf32, #tpu.memory_space<vmem>>) dst(%dma_wait3A_47 : memref<10240xf32, #tpu.memory_space<hbm>>)
      tpu.yield
    }) : () -> ()
    return
  }
}

#map = affine_map<(d0, d1) -> (0, 0)>
#map1 = affine_map<(d0, d1) -> (0)>
module attributes {stable_mosaic.version = 14 : i64} {
  func.func @segsum(%arg0: i32, %arg1: i32, %arg2: memref<10240x128xf32, #tpu.memory_space<hbm>>, %arg3: memref<323584xi32, #tpu.memory_space<hbm>>, %arg4: memref<323584xi32, #tpu.memory_space<hbm>>, %arg5: memref<10240x128xf32, #tpu.memory_space<hbm>>, %arg6: memref<20480x128xf32, #tpu.memory_space<hbm>>, %arg7: memref<128xi32, #tpu.memory_space<vmem>>, %arg8: memref<128xi32, #tpu.memory_space<vmem>>, %arg9: memref<128x128xf32, #tpu.memory_space<vmem>>, %arg10: memref<!tpu.dma_semaphore, #tpu.memory_space<semaphore_mem>>, %arg11: memref<128xi32, #tpu.memory_space<vmem>>, %arg12: memref<128xi32, #tpu.memory_space<vmem>>, %arg13: memref<128x128xf32, #tpu.memory_space<vmem>>, %arg14: memref<!tpu.dma_semaphore, #tpu.memory_space<semaphore_mem>>, %arg15: memref<10240x128xf32, #tpu.memory_space<vmem_shared>>) attributes {dimension_semantics = [#tpu.dimension_semantics<core_parallel>, #tpu.dimension_semantics<subcore_parallel>], iteration_bounds = array<i64: 2, 16>, scalar_prefetch = 0 : i64, scratch_operands = 9 : i64, tpu.core_type = #tpu.core_type<sc_vector_subcore>, window_params = [{transform_indices = #map}, {transform_indices = #map1}, {transform_indices = #map1}, {transform_indices = #map}, {transform_indices = #map}]} {
    %mul3A = arith.constant 16 : i32
    %mul3A_0 = arith.muli %arg0, %mul3A : i32
    %add3A = arith.addi %mul3A_0, %arg1 : i32
    %mul3A_1 = arith.constant 640 : i32
    %mul3A_2 = arith.muli %arg1, %mul3A_1 : i32
    "tpu.region"() ({
      %run_scoped3A = tpu.sem_alloc : memref<!tpu.dma_semaphore, #tpu.memory_space<semaphore_mem>>
      %dma_start3A_19 = arith.constant 0 : i32
      %dma_start3A_20 = tpu.memref_slice %arg15[%mul3A_2, %dma_start3A_19] : memref<10240x128xf32, #tpu.memory_space<vmem_shared>> -> memref<640x128xf32, #tpu.memory_space<vmem_shared>>
      %dma_start3A_21 = arith.constant 0 : i32
      %dma_start3A_22 = tpu.memref_slice %arg5[%mul3A_2, %dma_start3A_21] : memref<10240x128xf32, #tpu.memory_space<hbm>> -> memref<640x128xf32, #tpu.memory_space<hbm>>
      tpu.enqueue_dma source(%dma_start3A_22 : memref<640x128xf32, #tpu.memory_space<hbm>>) target(%dma_start3A_20 : memref<640x128xf32, #tpu.memory_space<vmem_shared>>) target_semaphore(%run_scoped3A : memref<!tpu.dma_semaphore, #tpu.memory_space<semaphore_mem>>)
      %dma_wait3A_23 = arith.constant 0 : i32
      %dma_wait3A_24 = tpu.memref_slice %arg15[%mul3A_2, %dma_wait3A_23] : memref<10240x128xf32, #tpu.memory_space<vmem_shared>> -> memref<640x128xf32, #tpu.memory_space<vmem_shared>>
      %dma_wait3A_25 = arith.constant 0 : i32
      %dma_wait3A_26 = tpu.memref_slice %arg5[%mul3A_2, %dma_wait3A_25] : memref<10240x128xf32, #tpu.memory_space<hbm>> -> memref<640x128xf32, #tpu.memory_space<hbm>>
      tpu.wait_dma2 semaphore(%run_scoped3A : memref<!tpu.dma_semaphore, #tpu.memory_space<semaphore_mem>>) src(%dma_wait3A_26 : memref<640x128xf32, #tpu.memory_space<hbm>>) dst(%dma_wait3A_24 : memref<640x128xf32, #tpu.memory_space<vmem_shared>>)
      tpu.yield
    }) : () -> ()
    %barrier3A = arith.constant 0 : index
    tpu.barrier barrier_id(%barrier3A)
    %mul3A_3 = arith.constant 10112 : i32
    %mul3A_4 = arith.muli %add3A, %mul3A_3 : i32
    %broadcast_in_dim3A = arith.constant 1.000000e+00 : f32
    %broadcast_in_dim3A_5 = vector.broadcast %broadcast_in_dim3A : f32 to vector<16xf32>
    "tpu.region"() ({
      %run_scoped3A = tpu.sem_alloc : memref<!tpu.dma_semaphore, #tpu.memory_space<semaphore_mem>>
      %dma_start3A_19 = tpu.memref_slice %arg3[%mul3A_4] : memref<323584xi32, #tpu.memory_space<hbm>> -> memref<128xi32, #tpu.memory_space<hbm>>
      %dma_start3A_20 = tpu.memref_slice %arg3[%mul3A_4] : memref<323584xi32, #tpu.memory_space<hbm>> -> memref<128xi32, #tpu.memory_space<hbm>>
      tpu.enqueue_dma source(%dma_start3A_20 : memref<128xi32, #tpu.memory_space<hbm>>) target(%arg7 : memref<128xi32, #tpu.memory_space<vmem>>) target_semaphore(%run_scoped3A : memref<!tpu.dma_semaphore, #tpu.memory_space<semaphore_mem>>)
      %dma_wait3A_21 = tpu.memref_slice %arg3[%mul3A_4] : memref<323584xi32, #tpu.memory_space<hbm>> -> memref<128xi32, #tpu.memory_space<hbm>>
      %dma_wait3A_22 = tpu.memref_slice %arg3[%mul3A_4] : memref<323584xi32, #tpu.memory_space<hbm>> -> memref<128xi32, #tpu.memory_space<hbm>>
      tpu.wait_dma2 semaphore(%run_scoped3A : memref<!tpu.dma_semaphore, #tpu.memory_space<semaphore_mem>>) src(%dma_wait3A_22 : memref<128xi32, #tpu.memory_space<hbm>>) dst(%arg7 : memref<128xi32, #tpu.memory_space<vmem>>)
      tpu.yield
    }) : () -> ()
    "tpu.region"() ({
      %run_scoped3A = tpu.sem_alloc : memref<!tpu.dma_semaphore, #tpu.memory_space<semaphore_mem>>
      %dma_start3A_19 = tpu.memref_slice %arg4[%mul3A_4] : memref<323584xi32, #tpu.memory_space<hbm>> -> memref<128xi32, #tpu.memory_space<hbm>>
      %dma_start3A_20 = tpu.memref_slice %arg4[%mul3A_4] : memref<323584xi32, #tpu.memory_space<hbm>> -> memref<128xi32, #tpu.memory_space<hbm>>
      tpu.enqueue_dma source(%dma_start3A_20 : memref<128xi32, #tpu.memory_space<hbm>>) target(%arg8 : memref<128xi32, #tpu.memory_space<vmem>>) target_semaphore(%run_scoped3A : memref<!tpu.dma_semaphore, #tpu.memory_space<semaphore_mem>>)
      %dma_wait3A_21 = tpu.memref_slice %arg4[%mul3A_4] : memref<323584xi32, #tpu.memory_space<hbm>> -> memref<128xi32, #tpu.memory_space<hbm>>
      %dma_wait3A_22 = tpu.memref_slice %arg4[%mul3A_4] : memref<323584xi32, #tpu.memory_space<hbm>> -> memref<128xi32, #tpu.memory_space<hbm>>
      tpu.wait_dma2 semaphore(%run_scoped3A : memref<!tpu.dma_semaphore, #tpu.memory_space<semaphore_mem>>) src(%dma_wait3A_22 : memref<128xi32, #tpu.memory_space<hbm>>) dst(%arg8 : memref<128xi32, #tpu.memory_space<vmem>>)
      tpu.yield
    }) : () -> ()
    %dma_start3A = arith.constant 0 : i32
    %dma_start3A_6 = arith.constant 0 : i32
    %dma_start3A_7 = tpu.memref_slice %arg2[%dma_start3A, %dma_start3A_6] : memref<10240x128xf32, #tpu.memory_space<hbm>> -> memref<10240x128xf32, #tpu.memory_space<hbm>>
    tpu.enqueue_indirect_dma source(%dma_start3A_7 : memref<10240x128xf32, #tpu.memory_space<hbm>>) target(%arg9 : memref<128x128xf32, #tpu.memory_space<vmem>>) offsets(%arg7 : memref<128xi32, #tpu.memory_space<vmem>>) semaphore(%arg10 : memref<!tpu.dma_semaphore, #tpu.memory_space<semaphore_mem>>)
    %scan3A = arith.constant 0 : i32
    %scan3A_8 = arith.constant 0 : i32
    %scan3A_9 = arith.constant 39 : i32
    %scan3A_10 = arith.addi %scan3A_8, %scan3A_9 : i32
    %scan3A_11 = arith.constant 1 : i32
    scf.for %scan3A_19 = %scan3A_8 to %scan3A_10 step %scan3A_11  : i32 {
      %mul3A_20 = arith.constant 2 : i32
      %mul3A_21 = arith.muli %scan3A_19, %mul3A_20 : i32
      %mul3A_22 = arith.constant 128 : i32
      %mul3A_23 = arith.muli %mul3A_21, %mul3A_22 : i32
      %add3A_24 = arith.addi %mul3A_4, %mul3A_23 : i32
      %add3A_25 = arith.constant 128 : i32
      %add3A_26 = arith.addi %add3A_24, %add3A_25 : i32
      "tpu.region"() ({
        %run_scoped3A = tpu.sem_alloc : memref<!tpu.dma_semaphore, #tpu.memory_space<semaphore_mem>>
        %dma_start3A_41 = tpu.memref_slice %arg3[%add3A_26] : memref<323584xi32, #tpu.memory_space<hbm>> -> memref<128xi32, #tpu.memory_space<hbm>>
        %dma_start3A_42 = tpu.memref_slice %arg3[%add3A_26] : memref<323584xi32, #tpu.memory_space<hbm>> -> memref<128xi32, #tpu.memory_space<hbm>>
        tpu.enqueue_dma source(%dma_start3A_42 : memref<128xi32, #tpu.memory_space<hbm>>) target(%arg11 : memref<128xi32, #tpu.memory_space<vmem>>) target_semaphore(%run_scoped3A : memref<!tpu.dma_semaphore, #tpu.memory_space<semaphore_mem>>)
        %dma_wait3A_43 = tpu.memref_slice %arg3[%add3A_26] : memref<323584xi32, #tpu.memory_space<hbm>> -> memref<128xi32, #tpu.memory_space<hbm>>
        %dma_wait3A_44 = tpu.memref_slice %arg3[%add3A_26] : memref<323584xi32, #tpu.memory_space<hbm>> -> memref<128xi32, #tpu.memory_space<hbm>>
        tpu.wait_dma2 semaphore(%run_scoped3A : memref<!tpu.dma_semaphore, #tpu.memory_space<semaphore_mem>>) src(%dma_wait3A_44 : memref<128xi32, #tpu.memory_space<hbm>>) dst(%arg11 : memref<128xi32, #tpu.memory_space<vmem>>)
        tpu.yield
      }) : () -> ()
      "tpu.region"() ({
        %run_scoped3A = tpu.sem_alloc : memref<!tpu.dma_semaphore, #tpu.memory_space<semaphore_mem>>
        %dma_start3A_41 = tpu.memref_slice %arg4[%add3A_26] : memref<323584xi32, #tpu.memory_space<hbm>> -> memref<128xi32, #tpu.memory_space<hbm>>
        %dma_start3A_42 = tpu.memref_slice %arg4[%add3A_26] : memref<323584xi32, #tpu.memory_space<hbm>> -> memref<128xi32, #tpu.memory_space<hbm>>
        tpu.enqueue_dma source(%dma_start3A_42 : memref<128xi32, #tpu.memory_space<hbm>>) target(%arg12 : memref<128xi32, #tpu.memory_space<vmem>>) target_semaphore(%run_scoped3A : memref<!tpu.dma_semaphore, #tpu.memory_space<semaphore_mem>>)
        %dma_wait3A_43 = tpu.memref_slice %arg4[%add3A_26] : memref<323584xi32, #tpu.memory_space<hbm>> -> memref<128xi32, #tpu.memory_space<hbm>>
        %dma_wait3A_44 = tpu.memref_slice %arg4[%add3A_26] : memref<323584xi32, #tpu.memory_space<hbm>> -> memref<128xi32, #tpu.memory_space<hbm>>
        tpu.wait_dma2 semaphore(%run_scoped3A : memref<!tpu.dma_semaphore, #tpu.memory_space<semaphore_mem>>) src(%dma_wait3A_44 : memref<128xi32, #tpu.memory_space<hbm>>) dst(%arg12 : memref<128xi32, #tpu.memory_space<vmem>>)
        tpu.yield
      }) : () -> ()
      %dma_start3A_27 = arith.constant 0 : i32
      %dma_start3A_28 = arith.constant 0 : i32
      %dma_start3A_29 = tpu.memref_slice %arg2[%dma_start3A_27, %dma_start3A_28] : memref<10240x128xf32, #tpu.memory_space<hbm>> -> memref<10240x128xf32, #tpu.memory_space<hbm>>
      tpu.enqueue_indirect_dma source(%dma_start3A_29 : memref<10240x128xf32, #tpu.memory_space<hbm>>) target(%arg13 : memref<128x128xf32, #tpu.memory_space<vmem>>) offsets(%arg11 : memref<128xi32, #tpu.memory_space<vmem>>) semaphore(%arg14 : memref<!tpu.dma_semaphore, #tpu.memory_space<semaphore_mem>>)
      %dma_wait3A_30 = arith.constant 0 : i32
      %dma_wait3A_31 = arith.constant 0 : i32
      %dma_wait3A_32 = tpu.memref_slice %arg2[%dma_wait3A_30, %dma_wait3A_31] : memref<10240x128xf32, #tpu.memory_space<hbm>> -> memref<10240x128xf32, #tpu.memory_space<hbm>>
      tpu.wait_indirect_dma semaphore(%arg10 : memref<!tpu.dma_semaphore, #tpu.memory_space<semaphore_mem>>) src(%dma_wait3A_32 : memref<10240x128xf32, #tpu.memory_space<hbm>>) dst(%arg9 : memref<128x128xf32, #tpu.memory_space<vmem>>)
      "tpu.region"() ({
        %run_scoped3A = tpu.sem_alloc : memref<!tpu.dma_semaphore, #tpu.memory_space<semaphore_mem>>
        %dma_start3A_41 = arith.constant 0 : i32
        %dma_start3A_42 = arith.constant 0 : i32
        %dma_start3A_43 = tpu.memref_slice %arg15[%dma_start3A_41, %dma_start3A_42] : memref<10240x128xf32, #tpu.memory_space<vmem_shared>> -> memref<10240x128xf32, #tpu.memory_space<vmem_shared>>
        tpu.enqueue_indirect_dma source(%arg9 : memref<128x128xf32, #tpu.memory_space<vmem>>) target(%dma_start3A_43 : memref<10240x128xf32, #tpu.memory_space<vmem_shared>>) offsets(%arg8 : memref<128xi32, #tpu.memory_space<vmem>>) semaphore(%run_scoped3A : memref<!tpu.dma_semaphore, #tpu.memory_space<semaphore_mem>>) {add = true}
        %dma_wait3A_44 = arith.constant 0 : i32
        %dma_wait3A_45 = arith.constant 0 : i32
        %dma_wait3A_46 = tpu.memref_slice %arg15[%dma_wait3A_44, %dma_wait3A_45] : memref<10240x128xf32, #tpu.memory_space<vmem_shared>> -> memref<10240x128xf32, #tpu.memory_space<vmem_shared>>
        tpu.wait_indirect_dma semaphore(%run_scoped3A : memref<!tpu.dma_semaphore, #tpu.memory_space<semaphore_mem>>) src(%arg9 : memref<128x128xf32, #tpu.memory_space<vmem>>) dst(%dma_wait3A_46 : memref<10240x128xf32, #tpu.memory_space<vmem_shared>>)
        tpu.yield
      }) : () -> ()
      %add3A_33 = arith.constant 256 : i32
      %add3A_34 = arith.addi %add3A_24, %add3A_33 : i32
      "tpu.region"() ({
        %run_scoped3A = tpu.sem_alloc : memref<!tpu.dma_semaphore, #tpu.memory_space<semaphore_mem>>
        %dma_start3A_41 = tpu.memref_slice %arg3[%add3A_34] : memref<323584xi32, #tpu.memory_space<hbm>> -> memref<128xi32, #tpu.memory_space<hbm>>
        %dma_start3A_42 = tpu.memref_slice %arg3[%add3A_34] : memref<323584xi32, #tpu.memory_space<hbm>> -> memref<128xi32, #tpu.memory_space<hbm>>
        tpu.enqueue_dma source(%dma_start3A_42 : memref<128xi32, #tpu.memory_space<hbm>>) target(%arg7 : memref<128xi32, #tpu.memory_space<vmem>>) target_semaphore(%run_scoped3A : memref<!tpu.dma_semaphore, #tpu.memory_space<semaphore_mem>>)
        %dma_wait3A_43 = tpu.memref_slice %arg3[%add3A_34] : memref<323584xi32, #tpu.memory_space<hbm>> -> memref<128xi32, #tpu.memory_space<hbm>>
        %dma_wait3A_44 = tpu.memref_slice %arg3[%add3A_34] : memref<323584xi32, #tpu.memory_space<hbm>> -> memref<128xi32, #tpu.memory_space<hbm>>
        tpu.wait_dma2 semaphore(%run_scoped3A : memref<!tpu.dma_semaphore, #tpu.memory_space<semaphore_mem>>) src(%dma_wait3A_44 : memref<128xi32, #tpu.memory_space<hbm>>) dst(%arg7 : memref<128xi32, #tpu.memory_space<vmem>>)
        tpu.yield
      }) : () -> ()
      "tpu.region"() ({
        %run_scoped3A = tpu.sem_alloc : memref<!tpu.dma_semaphore, #tpu.memory_space<semaphore_mem>>
        %dma_start3A_41 = tpu.memref_slice %arg4[%add3A_34] : memref<323584xi32, #tpu.memory_space<hbm>> -> memref<128xi32, #tpu.memory_space<hbm>>
        %dma_start3A_42 = tpu.memref_slice %arg4[%add3A_34] : memref<323584xi32, #tpu.memory_space<hbm>> -> memref<128xi32, #tpu.memory_space<hbm>>
        tpu.enqueue_dma source(%dma_start3A_42 : memref<128xi32, #tpu.memory_space<hbm>>) target(%arg8 : memref<128xi32, #tpu.memory_space<vmem>>) target_semaphore(%run_scoped3A : memref<!tpu.dma_semaphore, #tpu.memory_space<semaphore_mem>>)
        %dma_wait3A_43 = tpu.memref_slice %arg4[%add3A_34] : memref<323584xi32, #tpu.memory_space<hbm>> -> memref<128xi32, #tpu.memory_space<hbm>>
        %dma_wait3A_44 = tpu.memref_slice %arg4[%add3A_34] : memref<323584xi32, #tpu.memory_space<hbm>> -> memref<128xi32, #tpu.memory_space<hbm>>
        tpu.wait_dma2 semaphore(%run_scoped3A : memref<!tpu.dma_semaphore, #tpu.memory_space<semaphore_mem>>) src(%dma_wait3A_44 : memref<128xi32, #tpu.memory_space<hbm>>) dst(%arg8 : memref<128xi32, #tpu.memory_space<vmem>>)
        tpu.yield
      }) : () -> ()
      %dma_start3A_35 = arith.constant 0 : i32
      %dma_start3A_36 = arith.constant 0 : i32
      %dma_start3A_37 = tpu.memref_slice %arg2[%dma_start3A_35, %dma_start3A_36] : memref<10240x128xf32, #tpu.memory_space<hbm>> -> memref<10240x128xf32, #tpu.memory_space<hbm>>
      tpu.enqueue_indirect_dma source(%dma_start3A_37 : memref<10240x128xf32, #tpu.memory_space<hbm>>) target(%arg9 : memref<128x128xf32, #tpu.memory_space<vmem>>) offsets(%arg7 : memref<128xi32, #tpu.memory_space<vmem>>) semaphore(%arg10 : memref<!tpu.dma_semaphore, #tpu.memory_space<semaphore_mem>>)
      %dma_wait3A_38 = arith.constant 0 : i32
      %dma_wait3A_39 = arith.constant 0 : i32
      %dma_wait3A_40 = tpu.memref_slice %arg2[%dma_wait3A_38, %dma_wait3A_39] : memref<10240x128xf32, #tpu.memory_space<hbm>> -> memref<10240x128xf32, #tpu.memory_space<hbm>>
      tpu.wait_indirect_dma semaphore(%arg14 : memref<!tpu.dma_semaphore, #tpu.memory_space<semaphore_mem>>) src(%dma_wait3A_40 : memref<10240x128xf32, #tpu.memory_space<hbm>>) dst(%arg13 : memref<128x128xf32, #tpu.memory_space<vmem>>)
      "tpu.region"() ({
        %run_scoped3A = tpu.sem_alloc : memref<!tpu.dma_semaphore, #tpu.memory_space<semaphore_mem>>
        %dma_start3A_41 = arith.constant 0 : i32
        %dma_start3A_42 = arith.constant 0 : i32
        %dma_start3A_43 = tpu.memref_slice %arg15[%dma_start3A_41, %dma_start3A_42] : memref<10240x128xf32, #tpu.memory_space<vmem_shared>> -> memref<10240x128xf32, #tpu.memory_space<vmem_shared>>
        tpu.enqueue_indirect_dma source(%arg13 : memref<128x128xf32, #tpu.memory_space<vmem>>) target(%dma_start3A_43 : memref<10240x128xf32, #tpu.memory_space<vmem_shared>>) offsets(%arg12 : memref<128xi32, #tpu.memory_space<vmem>>) semaphore(%run_scoped3A : memref<!tpu.dma_semaphore, #tpu.memory_space<semaphore_mem>>) {add = true}
        %dma_wait3A_44 = arith.constant 0 : i32
        %dma_wait3A_45 = arith.constant 0 : i32
        %dma_wait3A_46 = tpu.memref_slice %arg15[%dma_wait3A_44, %dma_wait3A_45] : memref<10240x128xf32, #tpu.memory_space<vmem_shared>> -> memref<10240x128xf32, #tpu.memory_space<vmem_shared>>
        tpu.wait_indirect_dma semaphore(%run_scoped3A : memref<!tpu.dma_semaphore, #tpu.memory_space<semaphore_mem>>) src(%arg13 : memref<128x128xf32, #tpu.memory_space<vmem>>) dst(%dma_wait3A_46 : memref<10240x128xf32, #tpu.memory_space<vmem_shared>>)
        tpu.yield
      }) : () -> ()
    }
    %scan3A_12 = arith.constant 39 : i32
    %dma_wait3A = arith.constant 0 : i32
    %dma_wait3A_13 = arith.constant 0 : i32
    %dma_wait3A_14 = tpu.memref_slice %arg2[%dma_wait3A, %dma_wait3A_13] : memref<10240x128xf32, #tpu.memory_space<hbm>> -> memref<10240x128xf32, #tpu.memory_space<hbm>>
    tpu.wait_indirect_dma semaphore(%arg10 : memref<!tpu.dma_semaphore, #tpu.memory_space<semaphore_mem>>) src(%dma_wait3A_14 : memref<10240x128xf32, #tpu.memory_space<hbm>>) dst(%arg9 : memref<128x128xf32, #tpu.memory_space<vmem>>)
    "tpu.region"() ({
      %run_scoped3A = tpu.sem_alloc : memref<!tpu.dma_semaphore, #tpu.memory_space<semaphore_mem>>
      %dma_start3A_19 = arith.constant 0 : i32
      %dma_start3A_20 = arith.constant 0 : i32
      %dma_start3A_21 = tpu.memref_slice %arg15[%dma_start3A_19, %dma_start3A_20] : memref<10240x128xf32, #tpu.memory_space<vmem_shared>> -> memref<10240x128xf32, #tpu.memory_space<vmem_shared>>
      tpu.enqueue_indirect_dma source(%arg9 : memref<128x128xf32, #tpu.memory_space<vmem>>) target(%dma_start3A_21 : memref<10240x128xf32, #tpu.memory_space<vmem_shared>>) offsets(%arg8 : memref<128xi32, #tpu.memory_space<vmem>>) semaphore(%run_scoped3A : memref<!tpu.dma_semaphore, #tpu.memory_space<semaphore_mem>>) {add = true}
      %dma_wait3A_22 = arith.constant 0 : i32
      %dma_wait3A_23 = arith.constant 0 : i32
      %dma_wait3A_24 = tpu.memref_slice %arg15[%dma_wait3A_22, %dma_wait3A_23] : memref<10240x128xf32, #tpu.memory_space<vmem_shared>> -> memref<10240x128xf32, #tpu.memory_space<vmem_shared>>
      tpu.wait_indirect_dma semaphore(%run_scoped3A : memref<!tpu.dma_semaphore, #tpu.memory_space<semaphore_mem>>) src(%arg9 : memref<128x128xf32, #tpu.memory_space<vmem>>) dst(%dma_wait3A_24 : memref<10240x128xf32, #tpu.memory_space<vmem_shared>>)
      tpu.yield
    }) : () -> ()
    %barrier3A_15 = arith.constant 0 : index
    tpu.barrier barrier_id(%barrier3A_15)
    %mul3A_16 = arith.constant 10240 : i32
    %mul3A_17 = arith.muli %arg0, %mul3A_16 : i32
    %add3A_18 = arith.addi %mul3A_17, %mul3A_2 : i32
    "tpu.region"() ({
      %run_scoped3A = tpu.sem_alloc : memref<!tpu.dma_semaphore, #tpu.memory_space<semaphore_mem>>
      %dma_start3A_19 = arith.constant 0 : i32
      %dma_start3A_20 = tpu.memref_slice %arg6[%add3A_18, %dma_start3A_19] : memref<20480x128xf32, #tpu.memory_space<hbm>> -> memref<640x128xf32, #tpu.memory_space<hbm>>
      %dma_start3A_21 = arith.constant 0 : i32
      %dma_start3A_22 = tpu.memref_slice %arg15[%mul3A_2, %dma_start3A_21] : memref<10240x128xf32, #tpu.memory_space<vmem_shared>> -> memref<640x128xf32, #tpu.memory_space<vmem_shared>>
      tpu.enqueue_dma source(%dma_start3A_22 : memref<640x128xf32, #tpu.memory_space<vmem_shared>>) target(%dma_start3A_20 : memref<640x128xf32, #tpu.memory_space<hbm>>) target_semaphore(%run_scoped3A : memref<!tpu.dma_semaphore, #tpu.memory_space<semaphore_mem>>)
      %dma_wait3A_23 = arith.constant 0 : i32
      %dma_wait3A_24 = tpu.memref_slice %arg6[%add3A_18, %dma_wait3A_23] : memref<20480x128xf32, #tpu.memory_space<hbm>> -> memref<640x128xf32, #tpu.memory_space<hbm>>
      %dma_wait3A_25 = arith.constant 0 : i32
      %dma_wait3A_26 = tpu.memref_slice %arg15[%mul3A_2, %dma_wait3A_25] : memref<10240x128xf32, #tpu.memory_space<vmem_shared>> -> memref<640x128xf32, #tpu.memory_space<vmem_shared>>
      tpu.wait_dma2 semaphore(%run_scoped3A : memref<!tpu.dma_semaphore, #tpu.memory_space<semaphore_mem>>) src(%dma_wait3A_26 : memref<640x128xf32, #tpu.memory_space<vmem_shared>>) dst(%dma_wait3A_24 : memref<640x128xf32, #tpu.memory_space<hbm>>)
      tpu.yield
    }) : () -> ()
    return
  }
}

module attributes {stable_mosaic.version = 14 : i64} {
  func.func @_dense_body(%arg0: i32, %arg1: memref<1024x128xf32, #tpu.memory_space<vmem>>, %arg2: memref<1024x128xf32, #tpu.memory_space<vmem>>, %arg3: memref<32x1024xf32, #tpu.memory_space<vmem>>, %arg4: memref<1024x128xf32, #tpu.memory_space<vmem>>, %arg5: memref<128x128xf32, #tpu.memory_space<vmem>>, %arg6: memref<128x128xf32, #tpu.memory_space<vmem>>, %arg7: memref<1x128xf32, #tpu.memory_space<vmem>>, %arg8: memref<1024x128xf32, #tpu.memory_space<vmem>>) attributes {dimension_semantics = [#tpu.dimension_semantics<arbitrary>], iteration_bounds = array<i64: 10>, scalar_prefetch = 0 : i64, scratch_operands = 0 : i64, tpu.core_type = #tpu.core_type<tc>, window_params = [{transform_indices = @transform_0, window_bounds = array<i64: 1024, 128>}, {transform_indices = @transform_1, window_bounds = array<i64: 1024, 128>}, {transform_indices = @transform_2, window_bounds = array<i64: 32, 1024>}, {transform_indices = @transform_3, window_bounds = array<i64: 1024, 128>}, {pipeline_mode = #tpu.pipeline_mode<synchronous>, transform_indices = @transform_4, window_bounds = array<i64: 128, 128>}, {pipeline_mode = #tpu.pipeline_mode<synchronous>, transform_indices = @transform_5, window_bounds = array<i64: 128, 128>}, {pipeline_mode = #tpu.pipeline_mode<synchronous>, transform_indices = @transform_6, window_bounds = array<i64: 1, 128>}, {transform_indices = @transform_7, window_bounds = array<i64: 1024, 128>}]} {
    %get3A = arith.constant 0 : index
    %get3A_0 = arith.constant 0 : index
    %get3A_1 = vector.load %arg1[%get3A, %get3A_0] : memref<1024x128xf32, #tpu.memory_space<vmem>>, vector<1024x128xf32>
    %get3A_2 = arith.constant 0 : index
    %get3A_3 = arith.constant 0 : index
    %get3A_4 = vector.load %arg2[%get3A_2, %get3A_3] : memref<1024x128xf32, #tpu.memory_space<vmem>>, vector<1024x128xf32>
    %add3A = arith.addf %get3A_1, %get3A_4 : vector<1024x128xf32>
    %get3A_5 = arith.constant 0 : index
    %get3A_6 = arith.constant 0 : index
    %get3A_7 = vector.load %arg3[%get3A_5, %get3A_6] : memref<32x1024xf32, #tpu.memory_space<vmem>>, vector<32x1024xf32>
    %reduce_sum3A = arith.constant dense<0.000000e+00> : vector<1024xf32>
    %reduce_sum3A_8 = vector.multi_reduction <add>, %get3A_7, %reduce_sum3A [0] : vector<32x1024xf32> to vector<1024xf32>
    %broadcast_in_dim3A = vector.shape_cast %reduce_sum3A_8 : vector<1024xf32> to vector<1024x1xf32>
    %max3A = arith.constant 1.000000e+00 : f32
    %max3A_9 = vector.broadcast %max3A : f32 to vector<1024x1xf32>
    %max3A_10 = arith.maximumf %broadcast_in_dim3A, %max3A_9 : vector<1024x1xf32>
    %div3A = vector.broadcast %max3A_10 : vector<1024x1xf32> to vector<1024x128xf32>
    %div3A_11 = arith.divf %add3A, %div3A : vector<1024x128xf32>
    %get3A_12 = arith.constant 0 : index
    %get3A_13 = arith.constant 0 : index
    %get3A_14 = vector.load %arg5[%get3A_12, %get3A_13] : memref<128x128xf32, #tpu.memory_space<vmem>>, vector<128x128xf32>
    %dot_general3A = arith.constant dense<0.000000e+00> : vector<1024x128xf32>
    %dot_general3A_15 = tpu.matmul %div3A_11, %get3A_14, %dot_general3A {dimension_numbers = #tpu.dot_dimension_numbers<[1], [0], [0], [1], [0, 0, 1, 1], [], []>, transpose_lhs_hint = false} : vector<1024x128xf32>, vector<128x128xf32>, vector<1024x128xf32> -> vector<1024x128xf32>
    %get3A_16 = arith.constant 0 : index
    %get3A_17 = arith.constant 0 : index
    %get3A_18 = vector.load %arg4[%get3A_16, %get3A_17] : memref<1024x128xf32, #tpu.memory_space<vmem>>, vector<1024x128xf32>
    %get3A_19 = arith.constant 0 : index
    %get3A_20 = arith.constant 0 : index
    %get3A_21 = vector.load %arg6[%get3A_19, %get3A_20] : memref<128x128xf32, #tpu.memory_space<vmem>>, vector<128x128xf32>
    %dot_general3A_22 = arith.constant dense<0.000000e+00> : vector<1024x128xf32>
    %dot_general3A_23 = tpu.matmul %get3A_18, %get3A_21, %dot_general3A_22 {dimension_numbers = #tpu.dot_dimension_numbers<[1], [0], [0], [1], [0, 0, 1, 1], [], []>, transpose_lhs_hint = false} : vector<1024x128xf32>, vector<128x128xf32>, vector<1024x128xf32> -> vector<1024x128xf32>
    %add3A_24 = arith.addf %dot_general3A_15, %dot_general3A_23 : vector<1024x128xf32>
    %get3A_25 = arith.constant 0 : index
    %get3A_26 = arith.constant 0 : index
    %get3A_27 = vector.load %arg7[%get3A_25, %get3A_26] : memref<1x128xf32, #tpu.memory_space<vmem>>, vector<1x128xf32>
    %add3A_28 = vector.broadcast %get3A_27 : vector<1x128xf32> to vector<1024x128xf32>
    %add3A_29 = arith.addf %add3A_24, %add3A_28 : vector<1024x128xf32>
    %max3A_30 = arith.constant 0.000000e+00 : f32
    %max3A_31 = vector.broadcast %max3A_30 : f32 to vector<1024x128xf32>
    %max3A_32 = arith.maximumf %add3A_29, %max3A_31 : vector<1024x128xf32>
    %swap3A = arith.constant 0 : index
    %swap3A_33 = arith.constant 0 : index
    %swap3A_34 = vector.load %arg8[%swap3A, %swap3A_33] : memref<1024x128xf32, #tpu.memory_space<vmem>>, vector<1024x128xf32>
    tpu.vector_store %arg8[%swap3A, %swap3A_33], %max3A_32 {strides = array<i32>} : memref<1024x128xf32, #tpu.memory_space<vmem>>, vector<1024x128xf32>,
    return
  }
  func.func @transform_0(%arg0: i32) -> (i32, i32) {
    %c0_i32 = arith.constant 0 : i32
    %c0_i32_0 = arith.constant 0 : i32
    return %arg0, %c0_i32 : i32, i32
  }
  func.func @transform_1(%arg0: i32) -> (i32, i32) {
    %add3A = arith.constant 10 : i32
    %add3A_0 = arith.addi %arg0, %add3A : i32
    %c0_i32 = arith.constant 0 : i32
    %c0_i32_1 = arith.constant 0 : i32
    return %add3A_0, %c0_i32 : i32, i32
  }
  func.func @transform_2(%arg0: i32) -> (i32, i32) {
    %c0_i32 = arith.constant 0 : i32
    %c0_i32_0 = arith.constant 0 : i32
    return %c0_i32, %arg0 : i32, i32
  }
  func.func @transform_3(%arg0: i32) -> (i32, i32) {
    %c0_i32 = arith.constant 0 : i32
    %c0_i32_0 = arith.constant 0 : i32
    return %arg0, %c0_i32 : i32, i32
  }
  func.func @transform_4(%arg0: i32) -> (i32, i32) {
    %c0_i32 = arith.constant 0 : i32
    %c0_i32_0 = arith.constant 0 : i32
    %c0_i32_1 = arith.constant 0 : i32
    return %c0_i32, %c0_i32_0 : i32, i32
  }
  func.func @transform_5(%arg0: i32) -> (i32, i32) {
    %c0_i32 = arith.constant 0 : i32
    %c0_i32_0 = arith.constant 0 : i32
    %c0_i32_1 = arith.constant 0 : i32
    return %c0_i32, %c0_i32_0 : i32, i32
  }
  func.func @transform_6(%arg0: i32) -> (i32, i32) {
    %c0_i32 = arith.constant 0 : i32
    %c0_i32_0 = arith.constant 0 : i32
    %c0_i32_1 = arith.constant 0 : i32
    return %c0_i32, %c0_i32_0 : i32, i32
  }
  func.func @transform_7(%arg0: i32) -> (i32, i32) {
    %c0_i32 = arith.constant 0 : i32
    %c0_i32_0 = arith.constant 0 : i32
    return %arg0, %c0_i32 : i32, i32
  }
}

module attributes {stable_mosaic.version = 14 : i64} {
  func.func @_dense_body(%arg0: i32, %arg1: memref<1024x128xf32, #tpu.memory_space<vmem>>, %arg2: memref<1024x128xf32, #tpu.memory_space<vmem>>, %arg3: memref<32x1024xf32, #tpu.memory_space<vmem>>, %arg4: memref<1024x128xf32, #tpu.memory_space<vmem>>, %arg5: memref<128x128xf32, #tpu.memory_space<vmem>>, %arg6: memref<128x128xf32, #tpu.memory_space<vmem>>, %arg7: memref<1x128xf32, #tpu.memory_space<vmem>>, %arg8: memref<1024x128xf32, #tpu.memory_space<vmem>>) attributes {dimension_semantics = [#tpu.dimension_semantics<arbitrary>], iteration_bounds = array<i64: 10>, scalar_prefetch = 0 : i64, scratch_operands = 0 : i64, tpu.core_type = #tpu.core_type<tc>, window_params = [{transform_indices = @transform_0, window_bounds = array<i64: 1024, 128>}, {transform_indices = @transform_1, window_bounds = array<i64: 1024, 128>}, {transform_indices = @transform_2, window_bounds = array<i64: 32, 1024>}, {transform_indices = @transform_3, window_bounds = array<i64: 1024, 128>}, {pipeline_mode = #tpu.pipeline_mode<synchronous>, transform_indices = @transform_4, window_bounds = array<i64: 128, 128>}, {pipeline_mode = #tpu.pipeline_mode<synchronous>, transform_indices = @transform_5, window_bounds = array<i64: 128, 128>}, {pipeline_mode = #tpu.pipeline_mode<synchronous>, transform_indices = @transform_6, window_bounds = array<i64: 1, 128>}, {transform_indices = @transform_7, window_bounds = array<i64: 1024, 128>}]} {
    %get3A = arith.constant 0 : index
    %get3A_0 = arith.constant 0 : index
    %get3A_1 = vector.load %arg1[%get3A, %get3A_0] : memref<1024x128xf32, #tpu.memory_space<vmem>>, vector<1024x128xf32>
    %get3A_2 = arith.constant 0 : index
    %get3A_3 = arith.constant 0 : index
    %get3A_4 = vector.load %arg2[%get3A_2, %get3A_3] : memref<1024x128xf32, #tpu.memory_space<vmem>>, vector<1024x128xf32>
    %add3A = arith.addf %get3A_1, %get3A_4 : vector<1024x128xf32>
    %get3A_5 = arith.constant 0 : index
    %get3A_6 = arith.constant 0 : index
    %get3A_7 = vector.load %arg3[%get3A_5, %get3A_6] : memref<32x1024xf32, #tpu.memory_space<vmem>>, vector<32x1024xf32>
    %reduce_sum3A = arith.constant dense<0.000000e+00> : vector<1024xf32>
    %reduce_sum3A_8 = vector.multi_reduction <add>, %get3A_7, %reduce_sum3A [0] : vector<32x1024xf32> to vector<1024xf32>
    %broadcast_in_dim3A = vector.shape_cast %reduce_sum3A_8 : vector<1024xf32> to vector<1024x1xf32>
    %max3A = arith.constant 1.000000e+00 : f32
    %max3A_9 = vector.broadcast %max3A : f32 to vector<1024x1xf32>
    %max3A_10 = arith.maximumf %broadcast_in_dim3A, %max3A_9 : vector<1024x1xf32>
    %div3A = vector.broadcast %max3A_10 : vector<1024x1xf32> to vector<1024x128xf32>
    %div3A_11 = arith.divf %add3A, %div3A : vector<1024x128xf32>
    %get3A_12 = arith.constant 0 : index
    %get3A_13 = arith.constant 0 : index
    %get3A_14 = vector.load %arg5[%get3A_12, %get3A_13] : memref<128x128xf32, #tpu.memory_space<vmem>>, vector<128x128xf32>
    %dot_general3A = arith.constant dense<0.000000e+00> : vector<1024x128xf32>
    %dot_general3A_15 = tpu.matmul %div3A_11, %get3A_14, %dot_general3A {dimension_numbers = #tpu.dot_dimension_numbers<[1], [0], [0], [1], [0, 0, 1, 1], [], []>, transpose_lhs_hint = false} : vector<1024x128xf32>, vector<128x128xf32>, vector<1024x128xf32> -> vector<1024x128xf32>
    %get3A_16 = arith.constant 0 : index
    %get3A_17 = arith.constant 0 : index
    %get3A_18 = vector.load %arg4[%get3A_16, %get3A_17] : memref<1024x128xf32, #tpu.memory_space<vmem>>, vector<1024x128xf32>
    %get3A_19 = arith.constant 0 : index
    %get3A_20 = arith.constant 0 : index
    %get3A_21 = vector.load %arg6[%get3A_19, %get3A_20] : memref<128x128xf32, #tpu.memory_space<vmem>>, vector<128x128xf32>
    %dot_general3A_22 = arith.constant dense<0.000000e+00> : vector<1024x128xf32>
    %dot_general3A_23 = tpu.matmul %get3A_18, %get3A_21, %dot_general3A_22 {dimension_numbers = #tpu.dot_dimension_numbers<[1], [0], [0], [1], [0, 0, 1, 1], [], []>, transpose_lhs_hint = false} : vector<1024x128xf32>, vector<128x128xf32>, vector<1024x128xf32> -> vector<1024x128xf32>
    %add3A_24 = arith.addf %dot_general3A_15, %dot_general3A_23 : vector<1024x128xf32>
    %get3A_25 = arith.constant 0 : index
    %get3A_26 = arith.constant 0 : index
    %get3A_27 = vector.load %arg7[%get3A_25, %get3A_26] : memref<1x128xf32, #tpu.memory_space<vmem>>, vector<1x128xf32>
    %add3A_28 = vector.broadcast %get3A_27 : vector<1x128xf32> to vector<1024x128xf32>
    %add3A_29 = arith.addf %add3A_24, %add3A_28 : vector<1024x128xf32>
    %swap3A = arith.constant 0 : index
    %swap3A_30 = arith.constant 0 : index
    %swap3A_31 = vector.load %arg8[%swap3A, %swap3A_30] : memref<1024x128xf32, #tpu.memory_space<vmem>>, vector<1024x128xf32>
    tpu.vector_store %arg8[%swap3A, %swap3A_30], %add3A_29 {strides = array<i32>} : memref<1024x128xf32, #tpu.memory_space<vmem>>, vector<1024x128xf32>,
    return
  }
  func.func @transform_0(%arg0: i32) -> (i32, i32) {
    %c0_i32 = arith.constant 0 : i32
    %c0_i32_0 = arith.constant 0 : i32
    return %arg0, %c0_i32 : i32, i32
  }
  func.func @transform_1(%arg0: i32) -> (i32, i32) {
    %add3A = arith.constant 10 : i32
    %add3A_0 = arith.addi %arg0, %add3A : i32
    %c0_i32 = arith.constant 0 : i32
    %c0_i32_1 = arith.constant 0 : i32
    return %add3A_0, %c0_i32 : i32, i32
  }
  func.func @transform_2(%arg0: i32) -> (i32, i32) {
    %c0_i32 = arith.constant 0 : i32
    %c0_i32_0 = arith.constant 0 : i32
    return %c0_i32, %arg0 : i32, i32
  }
  func.func @transform_3(%arg0: i32) -> (i32, i32) {
    %c0_i32 = arith.constant 0 : i32
    %c0_i32_0 = arith.constant 0 : i32
    return %arg0, %c0_i32 : i32, i32
  }
  func.func @transform_4(%arg0: i32) -> (i32, i32) {
    %c0_i32 = arith.constant 0 : i32
    %c0_i32_0 = arith.constant 0 : i32
    %c0_i32_1 = arith.constant 0 : i32
    return %c0_i32, %c0_i32_0 : i32, i32
  }
  func.func @transform_5(%arg0: i32) -> (i32, i32) {
    %c0_i32 = arith.constant 0 : i32
    %c0_i32_0 = arith.constant 0 : i32
    %c0_i32_1 = arith.constant 0 : i32
    return %c0_i32, %c0_i32_0 : i32, i32
  }
  func.func @transform_6(%arg0: i32) -> (i32, i32) {
    %c0_i32 = arith.constant 0 : i32
    %c0_i32_0 = arith.constant 0 : i32
    %c0_i32_1 = arith.constant 0 : i32
    return %c0_i32, %c0_i32_0 : i32, i32
  }
  func.func @transform_7(%arg0: i32) -> (i32, i32) {
    %c0_i32 = arith.constant 0 : i32
    %c0_i32_0 = arith.constant 0 : i32
    return %arg0, %c0_i32 : i32, i32
  }
}

</mosaic_0001>

<sc_bundles>
// kernel: kernel.6.cloned.1.call-start
scs
__scs_entry_jumppad:
0x0: {  	(pc) =	sbr.rel $0x88, $3  }
0x1: {  	(tag) =	ssettag $0x0;
	lr =	simm.s32 $0x1  }
0x2: {  	[smem:$0x3F99] =	sst lr;
	_ =	strace $0xD0000000  }
0x3: {  	_ = 	snop  }
0x4: {  	_ = 	snop  }
0x5: {  	_ = 	snop  }
0x6: {  	_ = 	snop  }
0x7: {  	_ = 	snop  }
__scs_overlays_trampoline_lowered:
0x8: {  	[smem:$0x3FA8] =	sst s0  }
0x9: {  	[smem:$0x3FA9] =	sst s1  }
0xa: {  	[smem:$0x3FAA] =	sst s2  }
0xb: {  	[smem:$0x3FAB] =	sst s3  }
0xc: {  	[smem:$0x3FAC] =	sst s4  }
0xd: {  	[smem:$0x3FAD] =	sst s5  }
0xe: {  	[smem:$0x3FAE] =	sst s6  }
0xf: {  	[smem:$0x3FAF] =	sst s7  }
0x10: {  	[smem:$0x3FB0] =	sst s8  }
0x11: {  	[smem:$0x3FB1] =	sst s9;
	s0 =	simm.s32 @!p0 $0x0  }
0x12: {  	s1 =	sld [smem:$0x3F97];
	s0 =	simm.s32 @p0 $0x1  }
0x13: {  	[smem:$0x3FB2] =	sst s0;
	s0 =	simm.s32 @!p1 $0x0  }
0x14: {  	s2 =	sld [smem:$0x3F96];
	s0 =	simm.s32 @p1 $0x1  }
0x15: {  	[smem:$0x3FB3] =	sst s0;
	s0 =	simm.s32 @!p2 $0x0  }
0x16: {  	s3 =	sld [smem:$0x3FDB];
	s0 =	simm.s32 @p2 $0x1  }
0x17: {  	s4 =	simm.s32 $0x1BF5;
	[smem:$0x3FB5] =	sst s0  }
0x18: {  	s0 =	sld [smem:$0x3F98];
	_ =	swait.ge [sflag:s4], $0x0  }
0x19: {  	s7 =	sld [smem:$0x3F99]  }
0x1a: {  	s8 =	sadd.s32 $0xFFFFE003, lr  }
0x1b: {  	s9 =	sadd.s32 $0xFFFFFEF7, lr;
	s5 =	simm.s32 $0xFFFFFFFF;
	p2 =	slt.u32 s8, $0xFFFFF086  }
0x1c: {  	p1 =	slt.u32 s9, $0xF7A;
	s5 =	simm.s32 @!p2 $0x0  }
0x1d: {  	s5 =	simm.s32 @p1 $0x1;
	p0 =	seq.s32 s7, s2  }
0x1e: {  	s7 =	smul.u32 @!p0 $0xF7A, s2;
	p2 =	seq.s32 @!p0 s5, $0x0  }
0x1f: {  	s9 =	smul.u32 $0xF7A, s1;
	s8 =	simm.s32 @!p0 $0x1BF5;
	p2 =	por !p2, p0  }
0x20: {  	[sflag:s8] =	ssyncset.s32 @!p0 $0xFFFFF086;
	s6 =	sadd.s32 @!p0 s3, s7;
	s7 =	simm.s32 @!p0 $0x108  }
0x21: {  	s3 =	sadd.s32 s3, s9;
	s6 =	sadd.s32 @!p0 $0x88, s6;
	s7 =	simm.s32 @p2 $0x1082  }
0x22: {  	[simem:s7], [sflag:s8] =	dma.local @!p0 [hbm:s6], $0xF7A  }
0x23: {  	s9 =	sor.u32 $0xD0000000, s2;
	s6 =	simm.s32 $0x108;
	_ =	swait.ge @!p0 [sflag:s8], $0x0  }
0x24: {  	s3 =	sadd.s32 $0x88, s3;
	s6 =	simm.s32 @!p1 $0x1082;
	[sflag:s4] =	ssyncset.s32 $0xFFFFF086  }
0x25: {  	[simem:s6], [sflag:s4] =	dma.local [hbm:s3], $0xF7A  }
0x26: {  	[smem:$0x3F99] =	sst s1;
	(tag) =	ssettag s2;
	_ =	strace s9  }
0x27: {  	s1 =	sld [smem:$0x3FA9]  }
0x28: {  	s2 =	sld [smem:$0x3FAA]  }
0x29: {  	s4 =	sld [smem:$0x3FAC]  }
0x2a: {  	p0 =	seq.s32 s5, $0x0;
	s5 =	sld [smem:$0x3FAD]  }
0x2b: {  	s6 =	sld [smem:$0x3FAE]  }
0x2c: {  	s7 =	sld [smem:$0x3FAF]  }
0x2d: {  	s3 =	simm.s32 $0x108;
	s8 =	sld [smem:$0x3FB0]  }
0x2e: {  	s3 =	simm.s32 @!p0 $0x1082;
	s9 =	sld [smem:$0x3FB1]  }
0x2f: {  	lr =	sadd.s32 s0, s3;
	s0 =	sld [smem:$0x3FA8]  }
0x30: {  	s3 =	sld [smem:$0x3FAB]  }
0x31: {  	[smem:$0x3FB4] =	sst s10  }
0x32: {  	s10 =	sld [smem:$0x3FB2];
	_ =	sdelay $0x3  }
0x33: {  	p0 =	seq.s32 s10, $0x1;
	s10 =	sld [smem:$0x3FB4];
	_ =	sdelay $0x3  }
0x34: {  	[smem:$0x3FB4] =	sst s10  }
0x35: {  	s10 =	sld [smem:$0x3FB3];
	_ =	sdelay $0x3  }
0x36: {  	p1 =	seq.s32 s10, $0x1;
	s10 =	sld [smem:$0x3FB4];
	_ =	sdelay $0x3  }
0x37: {  	[smem:$0x3FB4] =	sst s10  }
0x38: {  	s10 =	sld [smem:$0x3FB5]  }
0x39: {  	_ = 	snop;
	(pc) =	sbr.ind lr, $3  }
0x3a: {  	_ = 	snop  }
0x3b: {  	_ = 	snop  }
0x3c: {  	p2 =	seq.s32 s10, $0x1;
	s10 =	sld [smem:$0x3FB4]  }
0x3d: {  	_ =	shalt  }
0x3e: {  	_ =	shalt  }
0x3f: {  	_ =	shalt  }
0x40: {  	_ =	shalt  }
0x41: {  	_ =	shalt  }
0x42: {  	_ =	shalt  }
0x43: {  	_ =	shalt  }
0x44: {  	_ =	shalt  }
0x45: {  	_ =	shalt  }
0x46: {  	_ =	shalt  }
0x47: {  	_ =	shalt  }
0x48: {  	_ =	shalt  }
0x49: {  	_ =	shalt  }
0x4a: {  	_ =	shalt  }
0x4b: {  	_ =	shalt  }
0x4c: {  	_ =	shalt  }
0x4d: {  	_ =	shalt  }
0x4e: {  	_ =	shalt  }
0x4f: {  	_ =	shalt  }
0x50: {  	_ =	shalt  }
0x51: {  	_ =	shalt  }
0x52: {  	_ =	shalt  }
0x53: {  	_ =	shalt  }
0x54: {  	_ =	shalt  }
0x55: {  	_ =	shalt  }
0x56: {  	_ =	shalt  }
0x57: {  	_ =	shalt  }
0x58: {  	_ =	shalt  }
0x59: {  	_ =	shalt  }
0x5a: {  	_ =	shalt  }
0x5b: {  	_ =	shalt  }
0x5c: {  	_ =	shalt  }
0x5d: {  	_ =	shalt  }
0x5e: {  	_ =	shalt  }
0x5f: {  	_ =	shalt  }
0x60: {  	_ =	shalt  }
0x61: {  	_ =	shalt  }
0x62: {  	_ =	shalt  }
0x63: {  	_ =	shalt  }
0x64: {  	_ =	shalt  }
0x65: {  	_ =	shalt  }
0x66: {  	_ =	shalt  }
0x67: {  	_ =	shalt  }
0x68: {  	_ =	shalt  }
0x69: {  	_ =	shalt  }
0x6a: {  	_ =	shalt  }
0x6b: {  	_ =	shalt  }
0x6c: {  	_ =	shalt  }
0x6d: {  	_ =	shalt  }
0x6e: {  	_ =	shalt  }
0x6f: {  	_ =	shalt  }
0x70: {  	_ =	shalt  }
0x71: {  	_ =	shalt  }
0x72: {  	_ =	shalt  }
0x73: {  	_ =	shalt  }
0x74: {  	_ =	shalt  }
0x75: {  	_ =	shalt  }
0x76: {  	_ =	shalt  }
0x77: {  	_ =	shalt  }
0x78: {  	_ =	shalt  }
0x79: {  	_ =	shalt  }
0x7a: {  	_ =	shalt  }
0x7b: {  	_ =	shalt  }
0x7c: {  	_ =	shalt  }
0x7d: {  	_ =	shalt  }
0x7e: {  	_ =	shalt  }
0x7f: {  	_ =	shalt  }
0x80: {  	_ =	shalt  }
0x81: {  	_ =	shalt  }
0x82: {  	_ =	shalt  }
0x83: {  	_ =	shalt  }
0x84: {  	_ =	shalt  }
0x85: {  	_ =	shalt  }
0x86: {  	_ =	shalt  }
0x87: {  	_ =	shalt  }
.Lfunc_end0:
.L_simem_size_0:
called_computation_lowered:
.L_overlay_start_0:
0x88: {  	s2 =	sld [smem:$0x3FD9]  }
0x89: {  	s3 =	sld [smem:$0x3FFE];
	_ =	sdelay $0x1  }
0x8a: {  	s1 =	srdreg.scid  }
0x8b: {  	s0 =	sand.u32 $0x1, s1  }
0x8c: {  	s17 =	sshll.u32 s0, $0xA;
	s2 =	sadd.s32 s3, s2  }
0x8d: {  	s2 =	sadd.s32 s2, s17  }
0x8e: {  	[smem:$0x3FC0] =	sst s2  }
0x8f: {  	_ = 	snop  }
0x90: {  	s2 =	sld [smem:$0x3FC9]  }
0x91: {  	s18 =	sld [smem:$0x3FD0];
	(tm) =	ssettm $0x1  }
0x92: {  	s4 =	sld [smem:$0x3FFB];
	_ =	sdelay $0x3  }
0x93: {  	_ =	strace s4  }
0x94: {  	s4 =	sld [smem:$0x3FFC];
	_ =	sdelay $0x3  }
0x95: {  	_ =	strace s4  }
0x96: {  	s4 =	sld [smem:$0x3FFD];
	_ =	sdelay $0x3  }
0x97: {  	_ =	strace s4  }
0x98: {  	_ =	strace $0x8FFFFFFF  }
0x99: {  	s19 =	sld [smem:$0x3FDB];
	_ =	sdelay $0x1  }
0x9a: {  	s5 =	simm.s32 $_scs_section_size  }
0x9b: {  	s6 =	simm.s32 $_size__tile_overlayer_lowered;
	s7 =	simm.s32 $_tile_overlayer_lowered  }
0x9c: {  	s22 =	simm.s32 $0x1BFF;
	s21 =	sshll.u32 s7, $0x1;
	s4 =	sadd.s32 s5, s19  }
0x9d: {  	s8 =	simm.s32 $0x0;
	s20 =	sshll.u32 s6, $0x1;
	s6 =	sadd.s32 s21, s4  }
0x9e: {  	[timem:s8], [sflag:s22] =	dma.local [hbm:s6], s20  }
0x9f: {  	_ =	swait.ge [sflag:s22], s20  }
0xa0: {  	s5 =	ssub.s32 $0x0, s20;
	[sflag:s22] =	ssyncset.done $0x0  }
0xa1: {  	[sflag:s22] =	ssyncadd.s32 s5;
	_ =	sdelay $0x1  }
0xa2: {  	s23 =	simm.s32 $0x1B8B  }
0xa3: {  	_ =	swait.ge [sflag:s23], $0x1  }
0xa4: {  	[sflag:s23] =	ssyncset.done $0x0  }
0xa5: {  	s25 =	simm.s32 $0x1B8E;
	s24 =	sld [smem:$0x3FFE];
	[sflag:s23] =	ssyncadd.s32 $0xFFFFFFFF  }
0xa6: {  	s26 =	simm.s32 $execute0_lowered;
	[smem:$0x3FD2] =	sst s25  }
0xa7: {  	s6 =	sshll.u32 s26, $0x1;
	_ =	strace $0x80000046;
	[dreg:$0x1] =	wrdreg $0xFFFFFFFF  }
0xa8: {  	s28 =	simm.s32 $_size_execute0_lowered;
	s4 =	sadd.s32 s4, s6;
	[dreg:$0x0] =	wrdreg $0x0  }
0xa9: {  	s6 =	sshll.u32 s28, $0x1;
	[dreg:$0x2] =	wrdreg s4  }
0xaa: {  	[dreg:$0x3] =	wrdreg s6  }
0xab: {  	[dreg:$0x4] =	wrdreg $0xC0  }
0xac: {  	_ =	task [dreg:s8], $0x5FFFF  }
0xad: {  	[dreg:$0x1] =	wrdreg $0xFFFFFFFF  }
0xae: {  	[dreg:$0x0] =	wrdreg $0x60  }
0xaf: {  	[dreg:$0x2] =	wrdreg s2  }
0xb0: {  	[dreg:$0x3] =	wrdreg s24  }
0xb1: {  	[dreg:$0x4] =	wrdreg s18  }
0xb2: {  	[dreg:$0x5] =	wrdreg $0x82000  }
0xb3: {  	[dreg:$0x6] =	wrdreg $0x9  }
0xb4: {  	_ =	task.clear_ibuf [dreg:s8], $0x7FFFF;
	_ =	strace $0x90000046  }
0xb5: {  	s29 =	simm.s32 $0x9;
	_ =	strace $0x80000048  }
0xb6: {  	_ =	swait.ge [sflag:s29], $0x1  }
0xb7: {  	[sflag:s29] =	ssyncadd.s32 $0xFFFFFFFF  }
0xb8: {  	_ =	strace $0x90000048  }
0xb9: {  	_ =	sfence  }
0xba: {  	s30 =	sld [smem:$0x0];
	_ =	sdelay $0x2  }
0xbb: {  	s31 =	sshll.u32 s1, $0xD;
	s1 =	sshrl.u32 s1, $0x2  }
0xbc: {  	s3 =	sand.u32 $0x4000, s31;
	s1 =	sadd.s32 s1, s30  }
0xbd: {  	s0 =	sor.u32 s3, s0;
	s1 =	sshll.u32 s1, $0x11  }
0xbe: {  	s0 =	sor.u32 s1, s0  }
0xbf: {  	s0 =	sadd.s32 $0x8F2B, s0  }
0xc0: {  	[sflag:s0] =	ssyncadd.remote.s32 $0x1  }
0xc1: {  	_ =	sfence.sel $0xFFFF  }
0xc2: {  	[dreg:$0x0] =	wrdreg $0xFFFFFFFF;
	(pc) =	sbr.abs _section_cstart, $3  }
0xc3: {  	[dreg:$0x1] =	wrdreg $0xFFFFFFFF  }
0xc4: {  	_ =	task.clear_ibuf [dreg:s8], $0x2FFFF;
	_ =	strace $0x9FFFFFFF  }
0xc5: {  	(tm) =	ssettm $0x7FFFFFFF  }
tec
execute0_lowered:
.L_overlay_start_1:
0x0: {  	(tag) =	ssettag $0x1  }
0x1: {  	s1 =	rddreg [dreg:$0x0]  }
0x2: {  	s7 =	rddreg [dreg:$0x1]  }
0x3: {  	s12 =	rddreg [dreg:$0x2]  }
0x4: {  	s3 =	rddreg [dreg:$0x3]  }
0x5: {  	s4 =	simm.s32 $0x0;
	s2 =	stileid.u32;
	s9 =	srdreg.scid  }
0x6: {  	s19 =	simm.s32 $0x80;
	s20 =	simm.s32 $0x100;
	s21 =	simm.s32 $0x4100  }
0x7: {  	s22 =	simm.s32 $0x4180;
	s28 =	simm.s32 $0x0;
	s8 =	smul.u32 $0x2800, s2  }
0x8: {  	[smem:$0x7FF] =	sst s4;
	s5 =	sadd.s32 $0xBE00, s7;
	s15 =	smul.u32 $0x50000, s2  }
0x9: {  	s6 =	sadd.s32 $0x2000, s7;
	s9 =	sand.u32 $0x1, s9;
	s26 =	smul.u32 $0x2780, s2  }
0xa: {  	s25 =	sshll.u32 s2, $0x6;
	_ =	strace $0x80000047;
	s11 =	smul.u32 $0x28000, s9  }
0xb: {  	s13 =	sshll.u32 s9, $0x4;
	s14 =	ssub.s32 $0x2, s9;
	s9 =	smul.u32 $0x27800, s9  }
0xc: {  	s10 =	sadd.s32 s8, s7;
	s13 =	sor.u32 s2, s13;
	s23 =	sshrl.u32 s14, $0x1  }
0xd: {  	s24 =	sshrl.u32 s15, $0x2;
	s8 =	sadd.s32 s8, s11;
	s16 =	smul.u32 $0x2780, s13  }
0xe: {  	s14 =	ssub.s32 s14, s23;
	s18 =	sadd.s32 s24, s3;
	s13 =	smul.u32 $0x500, s13  }
0xf: {  	s30 =	sadd.s32 s26, s9;
	s23 =	simm.s32 $0x4200;
	s24 =	simm.s32 $0x1  }
0x10: {  	s26 =	simm.s32 $0x2;
	s17 =	sadd.s32 s8, s7;
	s7 =	sadd.s32 $0x15C00, s10  }
0x11: {  	s8 =	sor.u32 $0x1C03, s25;
	s31 =	sadd.s32 $0x80, s30;
	s25 =	simm.s32 $0x1C200  }
0x12: {  	s29 =	sshrl.u32 s16, $0x3;
	s11 =	sadd.s32 $0x3DC00, s17;
	s12 =	sadd.s32 s12, s13  }
0x13: {  	s16 =	sshrl.u32 s31, $0x3;
	s13 =	smax.u32 s14, $0x1;
	s14 =	sadd.s32 $0x100, s30  }
0x14: {  	s17 =	sshrl.u32 s18, $0x3;
	s18 =	simm.s32 $0x3;
	s9 =	sadd.s32 s5, s29  }
0x15: {  	v0 =	vimm.f32 $0.0e+00;
	v1 =	vimm.f32 $1.000000000e+00;
	s10 =	sadd.s32 s6, s29;
	s15 =	sadd.s32 s16, s6;
	s16 =	sadd.s32 s16, s5  }
.LBB2_1:
0x16: {  	[spmem:s17], [sflag:s8] =	dma.local [hbm:s7], $0x2800  }
0x17: {  	_ =	swait.ge [sflag:s18], $0x2800  }
0x18: {  	[sflag:s18] =	ssyncset.done $0x0  }
0x19: {  	s29 =	simm.s32 $0x40;
	s30 =	simm.s32 $0x0;
	[sflag:s18] =	ssyncadd.s32 $0xFFFFD800  }
.LBB2_2:
0x1a: {  	p0 =	sne.s32 s29, $0x9FC0;
	[tilespmem:s30+$0x1C200] =	vst v0;
	s30 =	smov.u32 s29;
	s29 =	sadd.s32 $0x40, s29  }
.Ltmp0:
0x1b: {  	(pc) =	sbr.rel @p0 .LBB2_2-.Ltmp0, $2  }
0x1c: {  	_ =	sdelay $0x2  }
0x1d: {  	s30 =	sshra.s32 s30, $0x2  }
0x1e: {  	[tilespmem:s30+$0x1C200] =	vst v0  }
0x1f: {  	s29 =	simm.s32 $0x0;
	[bflag:$0x0] =	sbarrier.arrive $0xFFFF  }
0x20: {  	[tilespmem:s29], [sflag:$0x3] =	stream.linear.gather [hbm4b:s9+s29], $0x80, $0x38;
	[tilespmem:$0x1EA00] =	vst v63  }
0x21: {  	_ =	swait.ge [sflag:s18], $0x80  }
0x22: {  	[sflag:s18] =	ssyncset.done $0x0  }
0x23: {  	[sflag:s18] =	ssyncadd.s32 $0xFFFFFF80  }
0x24: {  	[tilespmem:s19], [sflag:$0x3] =	stream.linear.gather [hbm4b:s10+s29], $0x80, $0x38;
	[tilespmem:$0x1EA00] =	vst v63  }
0x25: {  	_ =	swait.ge [sflag:s18], $0x80  }
0x26: {  	[sflag:s18] =	ssyncset.done $0x0  }
0x27: {  	s30 =	smov.u32 s14;
	[sflag:s18] =	ssyncadd.s32 $0xFFFFFF80  }
0x28: {  	[tilespmem:s20], [sflag:$0x1] =	stream.indirect.gather [hbm4b:s1+s19], $0x80, s29, s19, $0xb8;
	[tilespmem:$0x1EA00] =	vst v63  }
.LBB2_4:
0x29: {  	s31 =	sadd.s32 s29, s16  }
0x2a: {  	[tilespmem:s21], [sflag:$0x3] =	stream.linear.gather [hbm4b:s31+s4], $0x80, $0x38;
	[tilespmem:$0x1EA00] =	vst v63  }
0x2b: {  	_ =	swait.ge [sflag:s18], $0x80  }
0x2c: {  	[sflag:s18] =	ssyncset.done $0x0  }
0x2d: {  	s0 =	sadd.s32 s29, s15;
	[sflag:s18] =	ssyncadd.s32 $0xFFFFFF80  }
0x2e: {  	[tilespmem:s22], [sflag:$0x3] =	stream.linear.gather [hbm4b:s0+s4], $0x80, $0x38;
	[tilespmem:$0x1EA00] =	vst v63  }
0x2f: {  	_ =	swait.ge [sflag:s18], $0x80  }
0x30: {  	[sflag:s18] =	ssyncset.done $0x0  }
0x31: {  	[sflag:s18] =	ssyncadd.s32 $0xFFFFFF80  }
0x32: {  	[tilespmem:s23], [sflag:$0x2] =	stream.indirect.gather [hbm4b:s1+s19], $0x80, s21, s19, $0xb8;
	[tilespmem:$0x1EA00] =	vst v63  }
0x33: {  	_ =	swait.ge [sflag:s24], $0x4000  }
0x34: {  	[sflag:s24] =	ssyncset.done $0x0  }
0x35: {  	[sflag:s24] =	ssyncadd.s32 $0xFFFFC000  }
0x36: {  	[spmem:s3] =	stream.indirect.scatter.add.f32 [tilespmem:s20], [sflag:$0x3], $0x80, s19, s19, $0xb8;
	[tilespmem:$0x1EA00] =	vst v63  }
0x37: {  	_ =	swait.ge [sflag:s18], $0x4000  }
0x38: {  	[sflag:s18] =	ssyncset.done $0x0  }
0x39: {  	[sflag:s18] =	ssyncadd.s32 $0xFFFFC000  }
0x3a: {  	v2 =	vld [tilespmem:$0x80];
	_ =	sdelay $0x7  }
0x3b: {  	[tilespmem:v2+s25+$0x0] =	vst.idx.add.f32.msk $0xffff, v1  }
0x3c: {  	v2 =	vld [tilespmem:$0x90];
	_ =	sdelay $0x7  }
0x3d: {  	[tilespmem:v2+s25+$0x0] =	vst.idx.add.f32.msk $0xffff, v1  }
0x3e: {  	v2 =	vld [tilespmem:$0xA0];
	_ =	sdelay $0x7  }
0x3f: {  	[tilespmem:v2+s25+$0x0] =	vst.idx.add.f32.msk $0xffff, v1  }
0x40: {  	v2 =	vld [tilespmem:$0xB0];
	_ =	sdelay $0x7  }
0x41: {  	[tilespmem:v2+s25+$0x0] =	vst.idx.add.f32.msk $0xffff, v1  }
0x42: {  	v2 =	vld [tilespmem:$0xC0];
	_ =	sdelay $0x7  }
0x43: {  	[tilespmem:v2+s25+$0x0] =	vst.idx.add.f32.msk $0xffff, v1  }
0x44: {  	v2 =	vld [tilespmem:$0xD0];
	_ =	sdelay $0x7  }
0x45: {  	[tilespmem:v2+s25+$0x0] =	vst.idx.add.f32.msk $0xffff, v1  }
0x46: {  	v2 =	vld [tilespmem:$0xE0];
	_ =	sdelay $0x7  }
0x47: {  	[tilespmem:v2+s25+$0x0] =	vst.idx.add.f32.msk $0xffff, v1  }
0x48: {  	v2 =	vld [tilespmem:$0xF0];
	_ =	sdelay $0x6  }
0x49: {  	s31 =	sshrl.u32 s30, $0x3  }
0x4a: {  	s0 =	sadd.s32 s5, s31;
	[tilespmem:v2+s25+$0x0] =	vst.idx.add.f32.msk $0xffff, v1  }
0x4b: {  	[tilespmem:s4], [sflag:$0x3] =	stream.linear.gather [hbm4b:s0+s4], $0x80, $0x38;
	[tilespmem:$0x1EA00] =	vst v63  }
0x4c: {  	_ =	swait.ge [sflag:s18], $0x80  }
0x4d: {  	[sflag:s18] =	ssyncset.done $0x0  }
0x4e: {  	s31 =	sadd.s32 s6, s31;
	[sflag:s18] =	ssyncadd.s32 $0xFFFFFF80  }
0x4f: {  	[tilespmem:s19], [sflag:$0x3] =	stream.linear.gather [hbm4b:s31+s4], $0x80, $0x38;
	[tilespmem:$0x1EA00] =	vst v63  }
0x50: {  	_ =	swait.ge [sflag:s18], $0x80  }
0x51: {  	[sflag:s18] =	ssyncset.done $0x0  }
0x52: {  	[sflag:s18] =	ssyncadd.s32 $0xFFFFFF80  }
0x53: {  	[tilespmem:s20], [sflag:$0x1] =	stream.indirect.gather [hbm4b:s1+s19], $0x80, s4, s19, $0xb8;
	[tilespmem:$0x1EA00] =	vst v63  }
0x54: {  	_ =	swait.ge [sflag:s26], $0x4000  }
0x55: {  	[sflag:s26] =	ssyncset.done $0x0  }
0x56: {  	[sflag:s26] =	ssyncadd.s32 $0xFFFFC000  }
0x57: {  	[spmem:s3] =	stream.indirect.scatter.add.f32 [tilespmem:s23], [sflag:$0x3], $0x80, s22, s19, $0xb8;
	[tilespmem:$0x1EA00] =	vst v63  }
0x58: {  	_ =	swait.ge [sflag:s18], $0x4000  }
0x59: {  	[sflag:s18] =	ssyncset.done $0x0  }
0x5a: {  	[sflag:s18] =	ssyncadd.s32 $0xFFFFC000  }
0x5b: {  	v2 =	vld [tilespmem:$0x4180];
	_ =	sdelay $0x7  }
0x5c: {  	[tilespmem:v2+s25+$0x0] =	vst.idx.add.f32.msk $0xffff, v1  }
0x5d: {  	v2 =	vld [tilespmem:$0x4190];
	_ =	sdelay $0x7  }
0x5e: {  	[tilespmem:v2+s25+$0x0] =	vst.idx.add.f32.msk $0xffff, v1  }
0x5f: {  	v2 =	vld [tilespmem:$0x41A0];
	_ =	sdelay $0x7  }
0x60: {  	[tilespmem:v2+s25+$0x0] =	vst.idx.add.f32.msk $0xffff, v1  }
0x61: {  	v2 =	vld [tilespmem:$0x41B0];
	_ =	sdelay $0x7  }
0x62: {  	[tilespmem:v2+s25+$0x0] =	vst.idx.add.f32.msk $0xffff, v1  }
0x63: {  	v2 =	vld [tilespmem:$0x41C0];
	_ =	sdelay $0x7  }
0x64: {  	[tilespmem:v2+s25+$0x0] =	vst.idx.add.f32.msk $0xffff, v1  }
0x65: {  	v2 =	vld [tilespmem:$0x41D0];
	_ =	sdelay $0x7  }
0x66: {  	[tilespmem:v2+s25+$0x0] =	vst.idx.add.f32.msk $0xffff, v1  }
0x67: {  	v2 =	vld [tilespmem:$0x41E0];
	_ =	sdelay $0x7  }
0x68: {  	[tilespmem:v2+s25+$0x0] =	vst.idx.add.f32.msk $0xffff, v1  }
0x69: {  	v2 =	vld [tilespmem:$0x41F0];
	_ =	sdelay $0x2  }
0x6a: {  	p0 =	sne.s32 s29, $0x4C0  }
.Ltmp1:
0x6b: {  	_ = 	snop;
	(pc) =	sbr.rel @p0 .LBB2_4-.Ltmp1, $2  }
0x6c: {  	_ =	sdelay $0x2  }
0x6d: {  	s29 =	sadd.s32 $0x20, s29;
	s30 =	sadd.s32 $0x100, s30;
	[tilespmem:v2+s25+$0x0] =	vst.idx.add.f32.msk $0xffff, v1  }
0x6e: {  	_ =	swait.ge [sflag:s24], $0x4000  }
0x6f: {  	[sflag:s24] =	ssyncset.done $0x0  }
0x70: {  	[sflag:s24] =	ssyncadd.s32 $0xFFFFC000  }
0x71: {  	[spmem:s3] =	stream.indirect.scatter.add.f32 [tilespmem:s20], [sflag:$0x3], $0x80, s19, s19, $0xb8;
	[tilespmem:$0x1EA00] =	vst v63  }
0x72: {  	_ =	swait.ge [sflag:s18], $0x4000  }
0x73: {  	[sflag:s18] =	ssyncset.done $0x0  }
0x74: {  	[sflag:s18] =	ssyncadd.s32 $0xFFFFC000  }
0x75: {  	v2 =	vld [tilespmem:$0x80];
	_ =	sdelay $0x7  }
0x76: {  	[tilespmem:v2+s25+$0x0] =	vst.idx.add.f32.msk $0xffff, v1  }
0x77: {  	v2 =	vld [tilespmem:$0x90];
	_ =	sdelay $0x7  }
0x78: {  	[tilespmem:v2+s25+$0x0] =	vst.idx.add.f32.msk $0xffff, v1  }
0x79: {  	v2 =	vld [tilespmem:$0xA0];
	_ =	sdelay $0x7  }
0x7a: {  	[tilespmem:v2+s25+$0x0] =	vst.idx.add.f32.msk $0xffff, v1  }
0x7b: {  	v2 =	vld [tilespmem:$0xB0];
	_ =	sdelay $0x7  }
0x7c: {  	[tilespmem:v2+s25+$0x0] =	vst.idx.add.f32.msk $0xffff, v1  }
0x7d: {  	v2 =	vld [tilespmem:$0xC0];
	_ =	sdelay $0x7  }
0x7e: {  	[tilespmem:v2+s25+$0x0] =	vst.idx.add.f32.msk $0xffff, v1  }
0x7f: {  	v2 =	vld [tilespmem:$0xD0];
	_ =	sdelay $0x7  }
0x80: {  	[tilespmem:v2+s25+$0x0] =	vst.idx.add.f32.msk $0xffff, v1  }
0x81: {  	v2 =	vld [tilespmem:$0xE0];
	_ =	sdelay $0x7  }
0x82: {  	[tilespmem:v2+s25+$0x0] =	vst.idx.add.f32.msk $0xffff, v1  }
0x83: {  	v2 =	vld [tilespmem:$0xF0];
	_ =	sdelay $0x7  }
0x84: {  	[tilespmem:v2+s25+$0x0] =	vst.idx.add.f32.msk $0xffff, v1  }
0x85: {  	[bflag:$0x0] =	sbarrier.arrive $0xFFFF  }
0x86: {  	[hbm:s11], [sflag:s8] =	dma.local [spmem:s17], $0x2800  }
0x87: {  	s28 =	sadd.s32 $0x1, s28;
	_ =	swait.ge [sflag:s18], $0x2800  }
0x88: {  	p0 =	sne.s32 s28, s13;
	[sflag:s18] =	ssyncset.done $0x0  }
.Ltmp2:
0x89: {  	[sflag:s18] =	ssyncadd.s32 $0xFFFFD800;
	(pc) =	sbr.rel @p0 .LBB2_1-.Ltmp2, $4  }
0x8a: {  	[hbm4b:s12+s4] =	stream.linear.scatter [tilespmem:s25], [sflag:$0x3], $0x2800, $0x38;
	[tilespmem:$0x1EA00] =	vst v63  }
0x8b: {  	_ =	swait.ge [sflag:s18], $0x2800  }
0x8c: {  	[sflag:s18] =	ssyncset.done $0x0  }
0x8d: {  	[sflag:s18] =	ssyncadd.s32 $0xFFFFD800  }
0x8e: {  	_ =	sfence.sel $0x180000  }
0x8f: {  	[bflag:$0x0] =	sbarrier.arrive $0xFFFF  }
0x90: {  	_ =	strace $0x90000047  }
0x91: {  	[bflag:$0x2] =	sbarrier.arrive $0xFFFF  }
0x92: {  	p0 =	sne.s32 s2, $0x0;
	s0 =	rddreg [dreg:$0x4]  }
0x93: {  	s0 =	sadd.s32 @!p0 $0x100000, s0  }
0x94: {  	[sflag:s0] =	ssyncadd.tile.s32 @!p0 $0x1;
	_ =	shalt  }
.Lfunc_end2:
_tile_overlayer_lowered:
.L_overlay_start_2:
0x95: {  	(tag) =	ssettag $0x2  }
0x96: {  	s0 =	rddreg [dreg:$0x0];
	s2 =	stileid.u32  }
0x97: {  	s1 =	rddreg [dreg:$0x1];
	p0 =	sne.s32 s2, $0x0  }
0x98: {  	s3 =	rddreg [dreg:$0x2];
	[bflag:$0x3] =	sbarrier.arrive $0xFFFF;
	s2 =	simm.s32 @!p0 $0x1C03  }
0x99: {  	[timem:s3], [sflag:s2] =	dma.local @!p0 [hbm:s0], s1  }
0x9a: {  	s0 =	simm.s32 @!p0 $0x3  }
0x9b: {  	_ =	swait.ge @!p0 [sflag:s0], s1  }
0x9c: {  	s1 =	ssub.s32 @!p0 $0x0, s1;
	[sflag:s0] =	ssyncset.done @!p0 $0x0  }
0x9d: {  	[sflag:s0] =	ssyncadd.s32 @!p0 s1  }
0x9e: {  	[bflag:$0x3] =	sbarrier.arrive $0xFFFF  }
0x9f: {  	_ =	shalt  }

// kernel: kernel.9.cloned.1.call-start
scs
__scs_entry_jumppad:
0x0: {  	(pc) =	sbr.rel $0x88, $3  }
0x1: {  	(tag) =	ssettag $0x0;
	lr =	simm.s32 $0x1  }
0x2: {  	[smem:$0x3F99] =	sst lr;
	_ =	strace $0xD0000000  }
0x3: {  	_ = 	snop  }
0x4: {  	_ = 	snop  }
0x5: {  	_ = 	snop  }
0x6: {  	_ = 	snop  }
0x7: {  	_ = 	snop  }
__scs_overlays_trampoline_lowered:
0x8: {  	[smem:$0x3FA8] =	sst s0  }
0x9: {  	[smem:$0x3FA9] =	sst s1  }
0xa: {  	[smem:$0x3FAA] =	sst s2  }
0xb: {  	[smem:$0x3FAB] =	sst s3  }
0xc: {  	[smem:$0x3FAC] =	sst s4  }
0xd: {  	[smem:$0x3FAD] =	sst s5  }
0xe: {  	[smem:$0x3FAE] =	sst s6  }
0xf: {  	[smem:$0x3FAF] =	sst s7  }
0x10: {  	[smem:$0x3FB0] =	sst s8  }
0x11: {  	[smem:$0x3FB1] =	sst s9;
	s0 =	simm.s32 @!p0 $0x0  }
0x12: {  	s1 =	sld [smem:$0x3F97];
	s0 =	simm.s32 @p0 $0x1  }
0x13: {  	[smem:$0x3FB2] =	sst s0;
	s0 =	simm.s32 @!p1 $0x0  }
0x14: {  	s2 =	sld [smem:$0x3F96];
	s0 =	simm.s32 @p1 $0x1  }
0x15: {  	[smem:$0x3FB3] =	sst s0;
	s0 =	simm.s32 @!p2 $0x0  }
0x16: {  	s3 =	sld [smem:$0x3FDB];
	s0 =	simm.s32 @p2 $0x1  }
0x17: {  	s4 =	simm.s32 $0x1BF5;
	[smem:$0x3FB5] =	sst s0  }
0x18: {  	s0 =	sld [smem:$0x3F98];
	_ =	swait.ge [sflag:s4], $0x0  }
0x19: {  	s7 =	sld [smem:$0x3F99]  }
0x1a: {  	s8 =	sadd.s32 $0xFFFFE003, lr  }
0x1b: {  	s9 =	sadd.s32 $0xFFFFFEF7, lr;
	s5 =	simm.s32 $0xFFFFFFFF;
	p2 =	slt.u32 s8, $0xFFFFF086  }
0x1c: {  	p1 =	slt.u32 s9, $0xF7A;
	s5 =	simm.s32 @!p2 $0x0  }
0x1d: {  	s5 =	simm.s32 @p1 $0x1;
	p0 =	seq.s32 s7, s2  }
0x1e: {  	s7 =	smul.u32 @!p0 $0xF7A, s2;
	p2 =	seq.s32 @!p0 s5, $0x0  }
0x1f: {  	s9 =	smul.u32 $0xF7A, s1;
	s8 =	simm.s32 @!p0 $0x1BF5;
	p2 =	por !p2, p0  }
0x20: {  	[sflag:s8] =	ssyncset.s32 @!p0 $0xFFFFF086;
	s6 =	sadd.s32 @!p0 s3, s7;
	s7 =	simm.s32 @!p0 $0x108  }
0x21: {  	s3 =	sadd.s32 s3, s9;
	s6 =	sadd.s32 @!p0 $0x88, s6;
	s7 =	simm.s32 @p2 $0x1082  }
0x22: {  	[simem:s7], [sflag:s8] =	dma.local @!p0 [hbm:s6], $0xF7A  }
0x23: {  	s9 =	sor.u32 $0xD0000000, s2;
	s6 =	simm.s32 $0x108;
	_ =	swait.ge @!p0 [sflag:s8], $0x0  }
0x24: {  	s3 =	sadd.s32 $0x88, s3;
	s6 =	simm.s32 @!p1 $0x1082;
	[sflag:s4] =	ssyncset.s32 $0xFFFFF086  }
0x25: {  	[simem:s6], [sflag:s4] =	dma.local [hbm:s3], $0xF7A  }
0x26: {  	[smem:$0x3F99] =	sst s1;
	(tag) =	ssettag s2;
	_ =	strace s9  }
0x27: {  	s1 =	sld [smem:$0x3FA9]  }
0x28: {  	s2 =	sld [smem:$0x3FAA]  }
0x29: {  	s4 =	sld [smem:$0x3FAC]  }
0x2a: {  	p0 =	seq.s32 s5, $0x0;
	s5 =	sld [smem:$0x3FAD]  }
0x2b: {  	s6 =	sld [smem:$0x3FAE]  }
0x2c: {  	s7 =	sld [smem:$0x3FAF]  }
0x2d: {  	s3 =	simm.s32 $0x108;
	s8 =	sld [smem:$0x3FB0]  }
0x2e: {  	s3 =	simm.s32 @!p0 $0x1082;
	s9 =	sld [smem:$0x3FB1]  }
0x2f: {  	lr =	sadd.s32 s0, s3;
	s0 =	sld [smem:$0x3FA8]  }
0x30: {  	s3 =	sld [smem:$0x3FAB]  }
0x31: {  	[smem:$0x3FB4] =	sst s10  }
0x32: {  	s10 =	sld [smem:$0x3FB2];
	_ =	sdelay $0x3  }
0x33: {  	p0 =	seq.s32 s10, $0x1;
	s10 =	sld [smem:$0x3FB4];
	_ =	sdelay $0x3  }
0x34: {  	[smem:$0x3FB4] =	sst s10  }
0x35: {  	s10 =	sld [smem:$0x3FB3];
	_ =	sdelay $0x3  }
0x36: {  	p1 =	seq.s32 s10, $0x1;
	s10 =	sld [smem:$0x3FB4];
	_ =	sdelay $0x3  }
0x37: {  	[smem:$0x3FB4] =	sst s10  }
0x38: {  	s10 =	sld [smem:$0x3FB5]  }
0x39: {  	_ = 	snop;
	(pc) =	sbr.ind lr, $3  }
0x3a: {  	_ = 	snop  }
0x3b: {  	_ = 	snop  }
0x3c: {  	p2 =	seq.s32 s10, $0x1;
	s10 =	sld [smem:$0x3FB4]  }
0x3d: {  	_ =	shalt  }
0x3e: {  	_ =	shalt  }
0x3f: {  	_ =	shalt  }
0x40: {  	_ =	shalt  }
0x41: {  	_ =	shalt  }
0x42: {  	_ =	shalt  }
0x43: {  	_ =	shalt  }
0x44: {  	_ =	shalt  }
0x45: {  	_ =	shalt  }
0x46: {  	_ =	shalt  }
0x47: {  	_ =	shalt  }
0x48: {  	_ =	shalt  }
0x49: {  	_ =	shalt  }
0x4a: {  	_ =	shalt  }
0x4b: {  	_ =	shalt  }
0x4c: {  	_ =	shalt  }
0x4d: {  	_ =	shalt  }
0x4e: {  	_ =	shalt  }
0x4f: {  	_ =	shalt  }
0x50: {  	_ =	shalt  }
0x51: {  	_ =	shalt  }
0x52: {  	_ =	shalt  }
0x53: {  	_ =	shalt  }
0x54: {  	_ =	shalt  }
0x55: {  	_ =	shalt  }
0x56: {  	_ =	shalt  }
0x57: {  	_ =	shalt  }
0x58: {  	_ =	shalt  }
0x59: {  	_ =	shalt  }
0x5a: {  	_ =	shalt  }
0x5b: {  	_ =	shalt  }
0x5c: {  	_ =	shalt  }
0x5d: {  	_ =	shalt  }
0x5e: {  	_ =	shalt  }
0x5f: {  	_ =	shalt  }
0x60: {  	_ =	shalt  }
0x61: {  	_ =	shalt  }
0x62: {  	_ =	shalt  }
0x63: {  	_ =	shalt  }
0x64: {  	_ =	shalt  }
0x65: {  	_ =	shalt  }
0x66: {  	_ =	shalt  }
0x67: {  	_ =	shalt  }
0x68: {  	_ =	shalt  }
0x69: {  	_ =	shalt  }
0x6a: {  	_ =	shalt  }
0x6b: {  	_ =	shalt  }
0x6c: {  	_ =	shalt  }
0x6d: {  	_ =	shalt  }
0x6e: {  	_ =	shalt  }
0x6f: {  	_ =	shalt  }
0x70: {  	_ =	shalt  }
0x71: {  	_ =	shalt  }
0x72: {  	_ =	shalt  }
0x73: {  	_ =	shalt  }
0x74: {  	_ =	shalt  }
0x75: {  	_ =	shalt  }
0x76: {  	_ =	shalt  }
0x77: {  	_ =	shalt  }
0x78: {  	_ =	shalt  }
0x79: {  	_ =	shalt  }
0x7a: {  	_ =	shalt  }
0x7b: {  	_ =	shalt  }
0x7c: {  	_ =	shalt  }
0x7d: {  	_ =	shalt  }
0x7e: {  	_ =	shalt  }
0x7f: {  	_ =	shalt  }
0x80: {  	_ =	shalt  }
0x81: {  	_ =	shalt  }
0x82: {  	_ =	shalt  }
0x83: {  	_ =	shalt  }
0x84: {  	_ =	shalt  }
0x85: {  	_ =	shalt  }
0x86: {  	_ =	shalt  }
0x87: {  	_ =	shalt  }
.Lfunc_end0:
.L_simem_size_0:
called_computation.1_lowered:
.L_overlay_start_0:
0x88: {  	s2 =	sld [smem:$0x3FD9]  }
0x89: {  	s3 =	sld [smem:$0x3FFE];
	_ =	sdelay $0x1  }
0x8a: {  	s1 =	srdreg.scid  }
0x8b: {  	s0 =	sand.u32 $0x1, s1  }
0x8c: {  	s16 =	sshll.u32 s0, $0xA;
	s2 =	sadd.s32 s3, s2  }
0x8d: {  	s2 =	sadd.s32 s2, s16  }
0x8e: {  	[smem:$0x3FC0] =	sst s2  }
0x8f: {  	_ = 	snop  }
0x90: {  	(tm) =	ssettm $0x1  }
0x91: {  	s17 =	sld [smem:$0x3FFB];
	_ =	sdelay $0x3  }
0x92: {  	_ =	strace s17  }
0x93: {  	s2 =	sld [smem:$0x3FFC];
	_ =	sdelay $0x3  }
0x94: {  	_ =	strace s2  }
0x95: {  	s2 =	sld [smem:$0x3FFD];
	_ =	sdelay $0x3  }
0x96: {  	_ =	strace s2  }
0x97: {  	_ =	strace $0x8FFFFFFF  }
0x98: {  	s18 =	sld [smem:$0x3FDB];
	_ =	sdelay $0x1  }
0x99: {  	s19 =	simm.s32 $_scs_section_size  }
0x9a: {  	s4 =	simm.s32 $_size__tile_overlayer_lowered;
	s5 =	simm.s32 $_tile_overlayer_lowered  }
0x9b: {  	s22 =	simm.s32 $0x1BFF;
	s21 =	sshll.u32 s5, $0x1;
	s2 =	sadd.s32 s19, s18  }
0x9c: {  	s6 =	simm.s32 $0x0;
	s20 =	sshll.u32 s4, $0x1;
	s4 =	sadd.s32 s21, s2  }
0x9d: {  	[timem:s6], [sflag:s22] =	dma.local [hbm:s4], s20  }
0x9e: {  	_ =	swait.ge [sflag:s22], s20  }
0x9f: {  	s3 =	ssub.s32 $0x0, s20;
	[sflag:s22] =	ssyncset.done $0x0  }
0xa0: {  	[sflag:s22] =	ssyncadd.s32 s3;
	_ =	sdelay $0x1  }
0xa1: {  	s23 =	simm.s32 $0x1B8B  }
0xa2: {  	_ =	swait.ge [sflag:s23], $0x1  }
0xa3: {  	[sflag:s23] =	ssyncset.done $0x0  }
0xa4: {  	s25 =	simm.s32 $0x1B8E;
	s24 =	sld [smem:$0x3FFE];
	[sflag:s23] =	ssyncadd.s32 $0xFFFFFFFF  }
0xa5: {  	s26 =	simm.s32 $execute0_lowered;
	[smem:$0x3FD2] =	sst s25  }
0xa6: {  	s4 =	sshll.u32 s26, $0x1;
	_ =	strace $0x80000049;
	[dreg:$0x1] =	wrdreg $0xFFFFFFFF  }
0xa7: {  	s28 =	simm.s32 $_size_execute0_lowered;
	s2 =	sadd.s32 s2, s4;
	[dreg:$0x0] =	wrdreg $0x0  }
0xa8: {  	s4 =	sshll.u32 s28, $0x1;
	[dreg:$0x2] =	wrdreg s2  }
0xa9: {  	[dreg:$0x3] =	wrdreg s4  }
0xaa: {  	[dreg:$0x4] =	wrdreg $0xC0  }
0xab: {  	_ =	task [dreg:s6], $0x5FFFF  }
0xac: {  	[dreg:$0x1] =	wrdreg $0xFFFFFFFF  }
0xad: {  	[dreg:$0x0] =	wrdreg $0x60  }
0xae: {  	[dreg:$0x2] =	wrdreg s24  }
0xaf: {  	[dreg:$0x3] =	wrdreg $0x82000  }
0xb0: {  	[dreg:$0x4] =	wrdreg $0x9  }
0xb1: {  	_ =	task.clear_ibuf [dreg:s6], $0x5FFFF;
	_ =	strace $0x90000049  }
0xb2: {  	s29 =	simm.s32 $0x9;
	_ =	strace $0x8000004B  }
0xb3: {  	_ =	swait.ge [sflag:s29], $0x1  }
0xb4: {  	[sflag:s29] =	ssyncadd.s32 $0xFFFFFFFF  }
0xb5: {  	_ =	strace $0x9000004B  }
0xb6: {  	_ =	sfence  }
0xb7: {  	s30 =	sld [smem:$0x0];
	_ =	sdelay $0x2  }
0xb8: {  	s31 =	sshll.u32 s1, $0xD;
	s1 =	sshrl.u32 s1, $0x2  }
0xb9: {  	s3 =	sand.u32 $0x4000, s31;
	s1 =	sadd.s32 s1, s30  }
0xba: {  	s0 =	sor.u32 s3, s0;
	s1 =	sshll.u32 s1, $0x11  }
0xbb: {  	s0 =	sor.u32 s1, s0  }
0xbc: {  	s0 =	sadd.s32 $0x8F2B, s0  }
0xbd: {  	[sflag:s0] =	ssyncadd.remote.s32 $0x1  }
0xbe: {  	_ =	sfence.sel $0xFFFF  }
0xbf: {  	[dreg:$0x0] =	wrdreg $0xFFFFFFFF;
	(pc) =	sbr.abs _section_cstart, $3  }
0xc0: {  	[dreg:$0x1] =	wrdreg $0xFFFFFFFF  }
0xc1: {  	_ =	task.clear_ibuf [dreg:s6], $0x2FFFF;
	_ =	strace $0x9FFFFFFF  }
0xc2: {  	(tm) =	ssettm $0x7FFFFFFF  }
0xc3: {  	_ =	shalt  }
tec
execute0_lowered:
.L_overlay_start_1:
0x0: {  	(tag) =	ssettag $0x1  }
0x1: {  	s7 =	rddreg [dreg:$0x0]  }
0x2: {  	s2 =	rddreg [dreg:$0x1];
	s3 =	simm.s32 $0x0  }
0x3: {  	s1 =	stileid.u32;
	s4 =	srdreg.scid;
	s17 =	simm.s32 $0x3  }
0x4: {  	s18 =	simm.s32 $0x80;
	s19 =	simm.s32 $0x100;
	s20 =	simm.s32 $0x4100  }
0x5: {  	s21 =	simm.s32 $0x4180;
	s22 =	simm.s32 $0x4200;
	s23 =	simm.s32 $0x1  }
0x6: {  	[smem:$0x7FF] =	sst s3;
	s8 =	smul.u32 $0x2800, s1;
	s9 =	sand.u32 $0x1, s4  }
0x7: {  	s4 =	sadd.s32 $0x3DC00, s7;
	s5 =	sadd.s32 $0xBE00, s7;
	s24 =	smul.u32 $0x50000, s1  }
0x8: {  	s6 =	sadd.s32 $0x2000, s7;
	s29 =	smul.u32 $0x2780, s1;
	s30 =	sshll.u32 s1, $0x6  }
0x9: {  	_ =	strace $0x8000004A;
	s10 =	smul.u32 $0x28000, s9;
	s12 =	sshll.u32 s9, $0x4  }
0xa: {  	s25 =	ssub.s32 $0x2, s9;
	s14 =	smul.u32 $0x27800, s9;
	s11 =	sadd.s32 s8, s7  }
0xb: {  	s12 =	sor.u32 s1, s12;
	s28 =	sshrl.u32 s25, $0x1;
	s8 =	sadd.s32 s8, s10  }
0xc: {  	s26 =	smul.u32 $0x2780, s12;
	s10 =	sshrl.u32 s24, $0x2;
	s12 =	ssub.s32 s25, s28  }
0xd: {  	s14 =	sadd.s32 s29, s14;
	s24 =	simm.s32 $0x2;
	s25 =	simm.s32 $0x0  }
0xe: {  	s13 =	sadd.s32 s8, s7;
	s16 =	sadd.s32 s10, s2;
	s7 =	sadd.s32 $0x15C00, s11  }
0xf: {  	s8 =	sor.u32 $0x1C03, s30;
	s15 =	sadd.s32 $0x80, s14;
	s12 =	smax.u32 s12, $0x1  }
0x10: {  	s31 =	sshrl.u32 s26, $0x3;
	s11 =	sadd.s32 $0x65C00, s13;
	s13 =	sadd.s32 $0x100, s14  }
0x11: {  	s15 =	sshrl.u32 s15, $0x3;
	s16 =	sshrl.u32 s16, $0x3;
	s9 =	sadd.s32 s5, s31  }
0x12: {  	s10 =	sadd.s32 s6, s31;
	s14 =	sadd.s32 s15, s6;
	s15 =	sadd.s32 s15, s5  }
.LBB2_1:
0x13: {  	[spmem:s16], [sflag:s8] =	dma.local [hbm:s7], $0x2800  }
0x14: {  	_ =	swait.ge [sflag:s17], $0x2800  }
0x15: {  	[sflag:s17] =	ssyncset.done $0x0  }
0x16: {  	[sflag:s17] =	ssyncadd.s32 $0xFFFFD800  }
0x17: {  	[bflag:$0x0] =	sbarrier.arrive $0xFFFF  }
0x18: {  	[tilespmem:s3], [sflag:$0x3] =	stream.linear.gather [hbm4b:s9+s3], $0x80, $0x38;
	[tilespmem:$0x1C200] =	vst v63  }
0x19: {  	_ =	swait.ge [sflag:s17], $0x80  }
0x1a: {  	[sflag:s17] =	ssyncset.done $0x0  }
0x1b: {  	[sflag:s17] =	ssyncadd.s32 $0xFFFFFF80  }
0x1c: {  	[tilespmem:s18], [sflag:$0x3] =	stream.linear.gather [hbm4b:s10+s3], $0x80, $0x38;
	[tilespmem:$0x1C200] =	vst v63  }
0x1d: {  	_ =	swait.ge [sflag:s17], $0x80  }
0x1e: {  	[sflag:s17] =	ssyncset.done $0x0  }
0x1f: {  	[sflag:s17] =	ssyncadd.s32 $0xFFFFFF80  }
0x20: {  	[tilespmem:s19], [sflag:$0x1] =	stream.indirect.gather [hbm4b:s4+s18], $0x80, s3, s18, $0xb8;
	[tilespmem:$0x1C200] =	vst v63  }
0x21: {  	s26 =	sadd.s32 $0x0, s15  }
0x22: {  	[tilespmem:s20], [sflag:$0x3] =	stream.linear.gather [hbm4b:s26+s3], $0x80, $0x38;
	[tilespmem:$0x1C200] =	vst v63  }
0x23: {  	_ =	swait.ge [sflag:s17], $0x80  }
0x24: {  	[sflag:s17] =	ssyncset.done $0x0  }
0x25: {  	s29 =	sadd.s32 $0x0, s14;
	[sflag:s17] =	ssyncadd.s32 $0xFFFFFF80  }
0x26: {  	[tilespmem:s21], [sflag:$0x3] =	stream.linear.gather [hbm4b:s29+s3], $0x80, $0x38;
	[tilespmem:$0x1C200] =	vst v63  }
0x27: {  	_ =	swait.ge [sflag:s17], $0x80  }
0x28: {  	[sflag:s17] =	ssyncset.done $0x0  }
0x29: {  	[sflag:s17] =	ssyncadd.s32 $0xFFFFFF80  }
0x2a: {  	[tilespmem:s22], [sflag:$0x2] =	stream.indirect.gather [hbm4b:s4+s18], $0x80, s20, s18, $0xb8;
	[tilespmem:$0x1C200] =	vst v63  }
0x2b: {  	_ =	swait.ge [sflag:s23], $0x4000  }
0x2c: {  	[sflag:s23] =	ssyncset.done $0x0  }
0x2d: {  	[sflag:s23] =	ssyncadd.s32 $0xFFFFC000  }
0x2e: {  	[spmem:s2] =	stream.indirect.scatter.add.f32 [tilespmem:s19], [sflag:$0x3], $0x80, s18, s18, $0xb8;
	[tilespmem:$0x1C200] =	vst v63  }
0x2f: {  	_ =	swait.ge [sflag:s17], $0x4000  }
0x30: {  	s31 =	sshrl.u32 s13, $0x3;
	[sflag:s17] =	ssyncset.done $0x0  }
0x31: {  	s28 =	sadd.s32 s5, s31;
	[sflag:s17] =	ssyncadd.s32 $0xFFFFC000  }
0x32: {  	[tilespmem:s3], [sflag:$0x3] =	stream.linear.gather [hbm4b:s28+s3], $0x80, $0x38;
	[tilespmem:$0x1C200] =	vst v63  }
0x33: {  	_ =	swait.ge [sflag:s17], $0x80  }
0x34: {  	[sflag:s17] =	ssyncset.done $0x0  }
0x35: {  	s26 =	sadd.s32 s6, s31;
	[sflag:s17] =	ssyncadd.s32 $0xFFFFFF80  }
0x36: {  	[tilespmem:s18], [sflag:$0x3] =	stream.linear.gather [hbm4b:s26+s3], $0x80, $0x38;
	[tilespmem:$0x1C200] =	vst v63  }
0x37: {  	_ =	swait.ge [sflag:s17], $0x80  }
0x38: {  	[sflag:s17] =	ssyncset.done $0x0  }
0x39: {  	[sflag:s17] =	ssyncadd.s32 $0xFFFFFF80  }
0x3a: {  	[tilespmem:s19], [sflag:$0x1] =	stream.indirect.gather [hbm4b:s4+s18], $0x80, s3, s18, $0xb8;
	[tilespmem:$0x1C200] =	vst v63  }
0x3b: {  	_ =	swait.ge [sflag:s24], $0x4000  }
0x3c: {  	[sflag:s24] =	ssyncset.done $0x0  }
0x3d: {  	[sflag:s24] =	ssyncadd.s32 $0xFFFFC000  }
0x3e: {  	[spmem:s2] =	stream.indirect.scatter.add.f32 [tilespmem:s22], [sflag:$0x3], $0x80, s21, s18, $0xb8;
	[tilespmem:$0x1C200] =	vst v63  }
0x3f: {  	s30 =	simm.s32 $0x40;
	_ =	swait.ge [sflag:s17], $0x4000  }
0x40: {  	s28 =	simm.s32 $0x20;
	s26 =	sadd.s32 $0x100, s13;
	[sflag:s17] =	ssyncset.done $0x0  }
.LBB2_2:
0x41: {  	s31 =	sadd.s32 s28, s15  }
0x42: {  	[sflag:s17] =	ssyncadd.s32 $0xFFFFC000;
	s0 =	smov.u32 s30;
	s29 =	sadd.s32 $0x20, s30  }
0x43: {  	[tilespmem:s20], [sflag:$0x3] =	stream.linear.gather [hbm4b:s31+s3], $0x80, $0x38;
	[tilespmem:$0x1C200] =	vst v63  }
0x44: {  	p0 =	sne.s32 s30, $0x4C0;
	_ =	swait.ge [sflag:s17], $0x80  }
0x45: {  	[sflag:s17] =	ssyncset.done $0x0  }
0x46: {  	s30 =	sadd.s32 s28, s14;
	s28 =	smov.u32 s0;
	[sflag:s17] =	ssyncadd.s32 $0xFFFFFF80  }
0x47: {  	[tilespmem:s21], [sflag:$0x3] =	stream.linear.gather [hbm4b:s30+s3], $0x80, $0x38;
	[tilespmem:$0x1C200] =	vst v63  }
0x48: {  	_ =	swait.ge [sflag:s17], $0x80  }
0x49: {  	[sflag:s17] =	ssyncset.done $0x0  }
0x4a: {  	[sflag:s17] =	ssyncadd.s32 $0xFFFFFF80  }
0x4b: {  	[tilespmem:s22], [sflag:$0x2] =	stream.indirect.gather [hbm4b:s4+s18], $0x80, s20, s18, $0xb8;
	[tilespmem:$0x1C200] =	vst v63  }
0x4c: {  	_ =	swait.ge [sflag:s23], $0x4000  }
0x4d: {  	[sflag:s23] =	ssyncset.done $0x0  }
0x4e: {  	[sflag:s23] =	ssyncadd.s32 $0xFFFFC000  }
0x4f: {  	[spmem:s2] =	stream.indirect.scatter.add.f32 [tilespmem:s19], [sflag:$0x3], $0x80, s18, s18, $0xb8;
	[tilespmem:$0x1C200] =	vst v63  }
0x50: {  	_ =	swait.ge [sflag:s17], $0x4000  }
0x51: {  	s0 =	sshrl.u32 s26, $0x3;
	[sflag:s17] =	ssyncset.done $0x0  }
0x52: {  	s30 =	sadd.s32 s5, s0;
	[sflag:s17] =	ssyncadd.s32 $0xFFFFC000  }
0x53: {  	[tilespmem:s3], [sflag:$0x3] =	stream.linear.gather [hbm4b:s30+s3], $0x80, $0x38;
	[tilespmem:$0x1C200] =	vst v63  }
0x54: {  	_ =	swait.ge [sflag:s17], $0x80  }
0x55: {  	[sflag:s17] =	ssyncset.done $0x0  }
0x56: {  	s0 =	sadd.s32 s6, s0;
	[sflag:s17] =	ssyncadd.s32 $0xFFFFFF80  }
0x57: {  	[tilespmem:s18], [sflag:$0x3] =	stream.linear.gather [hbm4b:s0+s3], $0x80, $0x38;
	[tilespmem:$0x1C200] =	vst v63  }
0x58: {  	_ =	swait.ge [sflag:s17], $0x80  }
0x59: {  	[sflag:s17] =	ssyncset.done $0x0  }
0x5a: {  	[sflag:s17] =	ssyncadd.s32 $0xFFFFFF80  }
0x5b: {  	[tilespmem:s19], [sflag:$0x1] =	stream.indirect.gather [hbm4b:s4+s18], $0x80, s3, s18, $0xb8;
	[tilespmem:$0x1C200] =	vst v63  }
0x5c: {  	_ =	swait.ge [sflag:s24], $0x4000  }
.Ltmp0:
0x5d: {  	[sflag:s24] =	ssyncset.done $0x0;
	(pc) =	sbr.rel @p0 .LBB2_2-.Ltmp0, $4  }
0x5e: {  	[sflag:s24] =	ssyncadd.s32 $0xFFFFC000  }
0x5f: {  	[spmem:s2] =	stream.indirect.scatter.add.f32 [tilespmem:s22], [sflag:$0x3], $0x80, s21, s18, $0xb8;
	[tilespmem:$0x1C200] =	vst v63  }
0x60: {  	_ =	swait.ge [sflag:s17], $0x4000  }
0x61: {  	s26 =	sadd.s32 $0x100, s26;
	s30 =	smov.u32 s29;
	[sflag:s17] =	ssyncset.done $0x0  }
0x62: {  	s0 =	sadd.s32 s28, s15;
	[sflag:s17] =	ssyncadd.s32 $0xFFFFC000  }
0x63: {  	[tilespmem:s20], [sflag:$0x3] =	stream.linear.gather [hbm4b:s0+s3], $0x80, $0x38;
	[tilespmem:$0x1C200] =	vst v63  }
0x64: {  	_ =	swait.ge [sflag:s17], $0x80  }
0x65: {  	[sflag:s17] =	ssyncset.done $0x0  }
0x66: {  	s30 =	sadd.s32 s28, s14;
	[sflag:s17] =	ssyncadd.s32 $0xFFFFFF80  }
0x67: {  	[tilespmem:s21], [sflag:$0x3] =	stream.linear.gather [hbm4b:s30+s3], $0x80, $0x38;
	[tilespmem:$0x1C200] =	vst v63  }
0x68: {  	_ =	swait.ge [sflag:s17], $0x80  }
0x69: {  	[sflag:s17] =	ssyncset.done $0x0  }
0x6a: {  	[sflag:s17] =	ssyncadd.s32 $0xFFFFFF80  }
0x6b: {  	[tilespmem:s22], [sflag:$0x2] =	stream.indirect.gather [hbm4b:s4+s18], $0x80, s20, s18, $0xb8;
	[tilespmem:$0x1C200] =	vst v63  }
0x6c: {  	_ =	swait.ge [sflag:s23], $0x4000  }
0x6d: {  	[sflag:s23] =	ssyncset.done $0x0  }
0x6e: {  	[sflag:s23] =	ssyncadd.s32 $0xFFFFC000  }
0x6f: {  	[spmem:s2] =	stream.indirect.scatter.add.f32 [tilespmem:s19], [sflag:$0x3], $0x80, s18, s18, $0xb8;
	[tilespmem:$0x1C200] =	vst v63  }
0x70: {  	_ =	swait.ge [sflag:s17], $0x4000  }
0x71: {  	s31 =	sshrl.u32 s26, $0x3;
	[sflag:s17] =	ssyncset.done $0x0  }
0x72: {  	s26 =	sadd.s32 s5, s31;
	[sflag:s17] =	ssyncadd.s32 $0xFFFFC000  }
0x73: {  	[tilespmem:s3], [sflag:$0x3] =	stream.linear.gather [hbm4b:s26+s3], $0x80, $0x38;
	[tilespmem:$0x1C200] =	vst v63  }
0x74: {  	_ =	swait.ge [sflag:s17], $0x80  }
0x75: {  	[sflag:s17] =	ssyncset.done $0x0  }
0x76: {  	s0 =	sadd.s32 s6, s31;
	[sflag:s17] =	ssyncadd.s32 $0xFFFFFF80  }
0x77: {  	[tilespmem:s18], [sflag:$0x3] =	stream.linear.gather [hbm4b:s0+s3], $0x80, $0x38;
	[tilespmem:$0x1C200] =	vst v63  }
0x78: {  	_ =	swait.ge [sflag:s17], $0x80  }
0x79: {  	[sflag:s17] =	ssyncset.done $0x0  }
0x7a: {  	[sflag:s17] =	ssyncadd.s32 $0xFFFFFF80  }
0x7b: {  	[tilespmem:s19], [sflag:$0x1] =	stream.indirect.gather [hbm4b:s4+s18], $0x80, s3, s18, $0xb8;
	[tilespmem:$0x1C200] =	vst v63  }
0x7c: {  	_ =	swait.ge [sflag:s24], $0x4000  }
0x7d: {  	[sflag:s24] =	ssyncset.done $0x0  }
0x7e: {  	[sflag:s24] =	ssyncadd.s32 $0xFFFFC000  }
0x7f: {  	[spmem:s2] =	stream.indirect.scatter.add.f32 [tilespmem:s22], [sflag:$0x3], $0x80, s21, s18, $0xb8;
	[tilespmem:$0x1C200] =	vst v63  }
0x80: {  	_ =	swait.ge [sflag:s17], $0x4000  }
0x81: {  	[sflag:s17] =	ssyncset.done $0x0  }
0x82: {  	[sflag:s17] =	ssyncadd.s32 $0xFFFFC000  }
0x83: {  	_ =	swait.ge [sflag:s23], $0x4000  }
0x84: {  	[sflag:s23] =	ssyncset.done $0x0  }
0x85: {  	[sflag:s23] =	ssyncadd.s32 $0xFFFFC000  }
0x86: {  	[spmem:s2] =	stream.indirect.scatter.add.f32 [tilespmem:s19], [sflag:$0x3], $0x80, s18, s18, $0xb8;
	[tilespmem:$0x1C200] =	vst v63  }
0x87: {  	_ =	swait.ge [sflag:s17], $0x4000  }
0x88: {  	s25 =	sadd.s32 $0x1, s25;
	[sflag:s17] =	ssyncset.done $0x0  }
0x89: {  	p0 =	sne.s32 s25, s12;
	[sflag:s17] =	ssyncadd.s32 $0xFFFFC000  }
.Ltmp1:
0x8a: {  	[bflag:$0x0] =	sbarrier.arrive $0xFFFF;
	(pc) =	sbr.rel @p0 .LBB2_1-.Ltmp1, $4  }
0x8b: {  	[hbm:s11], [sflag:s8] =	dma.local [spmem:s16], $0x2800  }
0x8c: {  	_ =	swait.ge [sflag:s17], $0x2800  }
0x8d: {  	[sflag:s17] =	ssyncset.done $0x0  }
0x8e: {  	[sflag:s17] =	ssyncadd.s32 $0xFFFFD800  }
0x8f: {  	_ =	sfence.sel $0x180000  }
0x90: {  	[bflag:$0x0] =	sbarrier.arrive $0xFFFF  }
0x91: {  	_ =	strace $0x9000004A  }
0x92: {  	[bflag:$0x2] =	sbarrier.arrive $0xFFFF  }
0x93: {  	p0 =	sne.s32 s1, $0x0;
	s0 =	rddreg [dreg:$0x2]  }
0x94: {  	s0 =	sadd.s32 @!p0 $0x100000, s0  }
0x95: {  	[sflag:s0] =	ssyncadd.tile.s32 @!p0 $0x1;
	_ =	shalt  }
.Lfunc_end2:
_tile_overlayer_lowered:
.L_overlay_start_2:
0x96: {  	(tag) =	ssettag $0x2  }
0x97: {  	s0 =	rddreg [dreg:$0x0];
	s2 =	stileid.u32  }
0x98: {  	s1 =	rddreg [dreg:$0x1];
	p0 =	sne.s32 s2, $0x0  }
0x99: {  	s3 =	rddreg [dreg:$0x2];
	[bflag:$0x3] =	sbarrier.arrive $0xFFFF;
	s2 =	simm.s32 @!p0 $0x1C03  }
0x9a: {  	[timem:s3], [sflag:s2] =	dma.local @!p0 [hbm:s0], s1  }
0x9b: {  	s0 =	simm.s32 @!p0 $0x3  }
0x9c: {  	_ =	swait.ge @!p0 [sflag:s0], s1  }
0x9d: {  	s1 =	ssub.s32 @!p0 $0x0, s1;
	[sflag:s0] =	ssyncset.done @!p0 $0x0  }
0x9e: {  	[sflag:s0] =	ssyncadd.s32 @!p0 s1  }
0x9f: {  	[bflag:$0x3] =	sbarrier.arrive $0xFFFF  }
0xa0: {  	_ =	shalt  }

</sc_bundles>
